<compile_context>
chip_gen: v7x
topology: tpu7x:2x2x1
jax: 0.10.2.dev20260603
libtpu: 0.0.44.dev20260713+nightly
codegen_flags: <defaults>
</compile_context>

<pallas_src>
import jax
import jax.numpy as jnp
from jax import lax
from jax.experimental import pallas as pl
from jax.experimental.pallas import tpu as pltpu
from jax.experimental.pallas import tpu_sc as plsc

E = 320000
D = 128
R = 1000
RPAD = 1024
NC = 2
NS = 16
NW = NC * NS
EW = E // NW
C = 80
NCHUNK = EW // C
NBUF = 4
NG = C // 16
NL = D // 16
ZROWS = 64


def _sc_body(h_hbm, et_hbm, out_hbm, h_v, et_all, zbuf, acc_sh,
             sh0, sh1, sh2, sh3, ss0, ss1, ss2, ss3):
    cid = lax.axis_index("c")
    sid = lax.axis_index("s")
    wid = cid * NS + sid
    e0 = wid * EW
    semh = [sh0, sh1, sh2, sh3]
    sems = [ss0, ss1, ss2, ss3]
    zero16 = jnp.zeros((16,), jnp.float32)

    def _z(i, _):
        for k in range(NL):
            zbuf[i, pl.ds(16 * k, 16)] = zero16
        return 0
    lax.fori_loop(0, ZROWS, _z, 0)

    @pl.when(sid == 0)
    def _():
        for t in range(RPAD // ZROWS):
            pltpu.sync_copy(zbuf, acc_sh.at[pl.ds(t * ZROWS, ZROWS)])
    pltpu.sync_copy(et_hbm.at[pl.ds(e0, EW)], et_all)
    plsc.subcore_barrier()

    def _start_h(ci, b):
        pltpu.async_copy(h_hbm.at[pl.ds(e0 + ci * C, C)], h_v.at[b], semh[b])

    def _wait_h(ci, b):
        pltpu.make_async_copy(h_hbm.at[pl.ds(e0 + ci * C, C)], h_v.at[b],
                              semh[b]).wait()

    def _fire_s(ci, b):
        return

    def _drain_s(b):
        return

    _start_h(0, 0)
    _start_h(1, 1)

    def _quad(i, _):
        for j in range(NBUF):
            c = i * NBUF + j

            _wait_h(c, j)
            _fire_s(c, j)

            @pl.when(c >= 2)
            def _():
                _drain_s((j + 2) % NBUF)

            @pl.when(c + 2 < NCHUNK)
            def _():
                _start_h(c + 2, (j + 2) % NBUF)
        return 0
    lax.fori_loop(0, NCHUNK // NBUF, _quad, 0)

    ct = NCHUNK - 1
    _wait_h(ct, ct % NBUF)
    _fire_s(ct, ct % NBUF)
    _drain_s((ct - 2) % NBUF)
    _drain_s((ct - 1) % NBUF)
    _drain_s(ct % NBUF)

    plsc.subcore_barrier()
    rows_pt = RPAD // NS
    r0 = sid * rows_pt
    pltpu.sync_copy(acc_sh.at[pl.ds(r0, rows_pt)],
                    h_v.at[0, pl.ds(0, rows_pt)])
    pltpu.sync_copy(h_v.at[0, pl.ds(0, rows_pt)],
                    out_hbm.at[cid, pl.ds(r0, rows_pt)])


def _finish_kernel(p_ref, g_ref, wr_ref, w1_ref, br_ref, b1_ref, out_ref):
    g_edges = p_ref[0, :R, :] + p_ref[1, :R, :]
    norm = jnp.sqrt(jnp.sum(g_edges * g_edges, axis=1, keepdims=True))
    g_edges = g_edges / jnp.maximum(norm, 1e-12)
    g_edges = jnp.where(g_edges > 0, g_edges, jnp.exp(g_edges) - 1.0)
    t1 = lax.dot_general(g_ref[...], wr_ref[...], (((1,), (1,)), ((), ())),
                         preferred_element_type=jnp.float32)
    t2 = lax.dot_general(g_edges, w1_ref[...], (((1,), (1,)), ((), ())),
                         preferred_element_type=jnp.float32)
    out_ref[...] = t1 + t2 + br_ref[...][None, :] + b1_ref[...][None, :]


def kernel(h_ijk, g, edge_type, Wr, br, W1, b1):
    et = jnp.asarray(edge_type, jnp.int32)

    seg_fn = pl.kernel(
        _sc_body,
        out_type=jax.ShapeDtypeStruct((NC, RPAD, D), jnp.float32),
        mesh=plsc.VectorSubcoreMesh(core_axis_name="c", subcore_axis_name="s"),
        compiler_params=pltpu.CompilerParams(needs_layout_passes=False),
        scratch_types=(
            [
                pltpu.VMEM((NBUF, C, D), jnp.float32),
                pltpu.VMEM((EW,), jnp.int32),
                pltpu.VMEM((ZROWS, D), jnp.float32),
                pltpu.VMEM_SHARED((RPAD, D), jnp.float32),
            ]
            + [pltpu.SemaphoreType.DMA] * (2 * NBUF)
        ),
    )
    partial = seg_fn(h_ijk, et)

    return pl.pallas_call(
        _finish_kernel,
        out_shape=jax.ShapeDtypeStruct((R, 64), jnp.float32),
    )(partial, g, Wr, W1, br, b1)

# --- scband reference (transcript-rebuilt; emitter-appended) ---
"""Pipeline reference for scband-relation-layer-55748675502095 (READ-ONLY COPY).

The authoritative reference and input builder live on the scoring server;
editing this copy changes nothing except your own understanding.
"""

import jax, jax.numpy as jnp
import numpy as np

E = 320000
D = 128
R = 1000
IN_SIZE = 64
OUT_SIZE = 64


def setup_inputs(seed: int = 0) -> dict:
    key = jax.random.key(seed)
    k1, k2, k3, k4, k5 = jax.random.split(key, 5)
    h_ijk = jax.random.normal(k1, (E, D), dtype=jnp.float32)
    g = jax.random.normal(k2, (R, IN_SIZE), dtype=jnp.float32)
    edge_type = jnp.sort(jax.random.randint(k3, (E,), 0, R, dtype=jnp.int64))
    # params (xavier_normal with gain=1.414, biases zero)
    def xavier(k, shape, gain=1.414):
        fan_out, fan_in = shape
        std = gain * np.sqrt(2.0 / (fan_in + fan_out))
        return jax.random.normal(k, shape, dtype=jnp.float32) * std
    Wr = xavier(k4, (OUT_SIZE, IN_SIZE))
    br = jnp.zeros((OUT_SIZE,), dtype=jnp.float32)
    W1 = xavier(k5, (OUT_SIZE, D))
    b1 = jnp.zeros((OUT_SIZE,), dtype=jnp.float32)
    return {"h_ijk": h_ijk, "g": g, "edge_type": edge_type,
            "Wr": Wr, "br": br, "W1": W1, "b1": b1}


def reference(h_ijk, g, edge_type, Wr, br, W1, b1):
    # scatter_add over edge types -> [R, D]
    g_edges = jax.ops.segment_sum(h_ijk, edge_type, num_segments=R)
    # F.normalize(dim=1, p=2): x / max(||x||_2, eps)
    norm = jnp.linalg.norm(g_edges, axis=1, keepdims=True)
    g_edges = g_edges / jnp.maximum(norm, 1e-12)
    g_edges = jax.nn.elu(g_edges)
    # g_prime = weights_rel(g) + fc1(g_edges)
    g_prime = (g @ Wr.T + br) + (g_edges @ W1.T + b1)
    return g_prime

if __name__ == "__main__":
    import jax
    _d = setup_inputs()
    print(jax.jit(kernel)(*tuple(_d.values())))

</pallas_src>

<mosaic_0001>
#map = affine_map<(d0, d1) -> (0, 0)>
#map1 = affine_map<(d0, d1) -> (0)>
#map2 = affine_map<(d0, d1) -> (0, 0, 0)>
module attributes {stable_mosaic.version = 14 : i64} {
  func.func @_sc_body(%arg0: i32, %arg1: i32, %arg2: memref<320000x128xf32, #tpu.memory_space<hbm>>, %arg3: memref<320000xi32, #tpu.memory_space<hbm>>, %arg4: memref<2x1024x128xf32, #tpu.memory_space<hbm>>, %arg5: memref<4x80x128xf32, #tpu.memory_space<vmem>>, %arg6: memref<10000xi32, #tpu.memory_space<vmem>>, %arg7: memref<64x128xf32, #tpu.memory_space<vmem>>, %arg8: memref<1024x128xf32, #tpu.memory_space<vmem_shared>>, %arg9: memref<!tpu.dma_semaphore, #tpu.memory_space<semaphore_mem>>, %arg10: memref<!tpu.dma_semaphore, #tpu.memory_space<semaphore_mem>>, %arg11: memref<!tpu.dma_semaphore, #tpu.memory_space<semaphore_mem>>, %arg12: memref<!tpu.dma_semaphore, #tpu.memory_space<semaphore_mem>>, %arg13: memref<!tpu.dma_semaphore, #tpu.memory_space<semaphore_mem>>, %arg14: memref<!tpu.dma_semaphore, #tpu.memory_space<semaphore_mem>>, %arg15: memref<!tpu.dma_semaphore, #tpu.memory_space<semaphore_mem>>, %arg16: memref<!tpu.dma_semaphore, #tpu.memory_space<semaphore_mem>>) attributes {dimension_semantics = [#tpu.dimension_semantics<core_parallel>, #tpu.dimension_semantics<subcore_parallel>], iteration_bounds = array<i64: 2, 16>, scalar_prefetch = 0 : i64, scratch_operands = 12 : i64, tpu.core_type = #tpu.core_type<sc_vector_subcore>, window_params = [{transform_indices = #map}, {transform_indices = #map1}, {transform_indices = #map2}]} {
    %mul3A = arith.constant 16 : i32
    %mul3A_0 = arith.muli %arg0, %mul3A : i32
    %add3A = arith.addi %mul3A_0, %arg1 : i32
    %mul3A_1 = arith.constant 10000 : i32
    %mul3A_2 = arith.muli %add3A, %mul3A_1 : i32
    %broadcast_in_dim3A = arith.constant 0.000000e+00 : f32
    %broadcast_in_dim3A_3 = vector.broadcast %broadcast_in_dim3A : f32 to vector<16xf32>
    %scan3A = arith.constant 0 : i32
    %scan3A_4 = arith.constant 0 : i32
    %scan3A_5 = arith.constant 64 : i32
    %scan3A_6 = arith.addi %scan3A_4, %scan3A_5 : i32
    %scan3A_7 = arith.constant 1 : i32
    %scan3A_8 = scf.for %scan3A_66 = %scan3A_4 to %scan3A_6 step %scan3A_7 iter_args(%scan3A_67 = %scan3A) -> (i32)  : i32 {
      %swap3A = arith.index_cast %scan3A_66 : i32 to index
      %swap3A_68 = arith.constant 0 : index
      %swap3A_69 = tpu.vector_load %arg7[%swap3A, %swap3A_68] {strides = array<i32>} : memref<64x128xf32, #tpu.memory_space<vmem>>, vector<16xf32>,
      tpu.vector_store %arg7[%swap3A, %swap3A_68], %broadcast_in_dim3A_3 {strides = array<i32>} : memref<64x128xf32, #tpu.memory_space<vmem>>, vector<16xf32>,
      %swap3A_70 = arith.index_cast %scan3A_66 : i32 to index
      %swap3A_71 = arith.constant 16 : index
      %swap3A_72 = tpu.vector_load %arg7[%swap3A_70, %swap3A_71] {strides = array<i32>} : memref<64x128xf32, #tpu.memory_space<vmem>>, vector<16xf32>,
      tpu.vector_store %arg7[%swap3A_70, %swap3A_71], %broadcast_in_dim3A_3 {strides = array<i32>} : memref<64x128xf32, #tpu.memory_space<vmem>>, vector<16xf32>,
      %swap3A_73 = arith.index_cast %scan3A_66 : i32 to index
      %swap3A_74 = arith.constant 32 : index
      %swap3A_75 = tpu.vector_load %arg7[%swap3A_73, %swap3A_74] {strides = array<i32>} : memref<64x128xf32, #tpu.memory_space<vmem>>, vector<16xf32>,
      tpu.vector_store %arg7[%swap3A_73, %swap3A_74], %broadcast_in_dim3A_3 {strides = array<i32>} : memref<64x128xf32, #tpu.memory_space<vmem>>, vector<16xf32>,
      %swap3A_76 = arith.index_cast %scan3A_66 : i32 to index
      %swap3A_77 = arith.constant 48 : index
      %swap3A_78 = tpu.vector_load %arg7[%swap3A_76, %swap3A_77] {strides = array<i32>} : memref<64x128xf32, #tpu.memory_space<vmem>>, vector<16xf32>,
      tpu.vector_store %arg7[%swap3A_76, %swap3A_77], %broadcast_in_dim3A_3 {strides = array<i32>} : memref<64x128xf32, #tpu.memory_space<vmem>>, vector<16xf32>,
      %swap3A_79 = arith.index_cast %scan3A_66 : i32 to index
      %swap3A_80 = arith.constant 64 : index
      %swap3A_81 = tpu.vector_load %arg7[%swap3A_79, %swap3A_80] {strides = array<i32>} : memref<64x128xf32, #tpu.memory_space<vmem>>, vector<16xf32>,
      tpu.vector_store %arg7[%swap3A_79, %swap3A_80], %broadcast_in_dim3A_3 {strides = array<i32>} : memref<64x128xf32, #tpu.memory_space<vmem>>, vector<16xf32>,
      %swap3A_82 = arith.index_cast %scan3A_66 : i32 to index
      %swap3A_83 = arith.constant 80 : index
      %swap3A_84 = tpu.vector_load %arg7[%swap3A_82, %swap3A_83] {strides = array<i32>} : memref<64x128xf32, #tpu.memory_space<vmem>>, vector<16xf32>,
      tpu.vector_store %arg7[%swap3A_82, %swap3A_83], %broadcast_in_dim3A_3 {strides = array<i32>} : memref<64x128xf32, #tpu.memory_space<vmem>>, vector<16xf32>,
      %swap3A_85 = arith.index_cast %scan3A_66 : i32 to index
      %swap3A_86 = arith.constant 96 : index
      %swap3A_87 = tpu.vector_load %arg7[%swap3A_85, %swap3A_86] {strides = array<i32>} : memref<64x128xf32, #tpu.memory_space<vmem>>, vector<16xf32>,
      tpu.vector_store %arg7[%swap3A_85, %swap3A_86], %broadcast_in_dim3A_3 {strides = array<i32>} : memref<64x128xf32, #tpu.memory_space<vmem>>, vector<16xf32>,
      %swap3A_88 = arith.index_cast %scan3A_66 : i32 to index
      %swap3A_89 = arith.constant 112 : index
      %swap3A_90 = tpu.vector_load %arg7[%swap3A_88, %swap3A_89] {strides = array<i32>} : memref<64x128xf32, #tpu.memory_space<vmem>>, vector<16xf32>,
      tpu.vector_store %arg7[%swap3A_88, %swap3A_89], %broadcast_in_dim3A_3 {strides = array<i32>} : memref<64x128xf32, #tpu.memory_space<vmem>>, vector<16xf32>,
      %scan3A_91 = arith.constant 0 : i32
      scf.yield %scan3A_91 : i32
    }
    %scan3A_9 = arith.constant 64 : i32
    %eq3A = arith.constant 0 : i32
    %eq3A_10 = arith.cmpi eq, %arg1, %eq3A : i32
    %convert_element_type3A = arith.extui %eq3A_10 : i1 to i32
    %cond3A = arith.constant 0 : i32
    %cond3A_11 = arith.cmpi ne, %convert_element_type3A, %cond3A : i32
    scf.if %cond3A_11 {
      "tpu.region"() ({
        %run_scoped3A_66 = tpu.sem_alloc : memref<!tpu.dma_semaphore, #tpu.memory_space<semaphore_mem>>
        %dma_start3A_67 = arith.constant 0 : i32
        %dma_start3A_68 = arith.constant 0 : i32
        %dma_start3A_69 = tpu.memref_slice %arg8[%dma_start3A_67, %dma_start3A_68] : memref<1024x128xf32, #tpu.memory_space<vmem_shared>> -> memref<64x128xf32, #tpu.memory_space<vmem_shared>>
        %dma_start3A_70 = arith.constant 0 : i32
        %dma_start3A_71 = arith.constant 0 : i32
        %dma_start3A_72 = tpu.memref_slice %arg8[%dma_start3A_70, %dma_start3A_71] : memref<1024x128xf32, #tpu.memory_space<vmem_shared>> -> memref<64x128xf32, #tpu.memory_space<vmem_shared>>
        tpu.enqueue_dma source(%arg7 : memref<64x128xf32, #tpu.memory_space<vmem>>) target(%dma_start3A_72 : memref<64x128xf32, #tpu.memory_space<vmem_shared>>) target_semaphore(%run_scoped3A_66 : memref<!tpu.dma_semaphore, #tpu.memory_space<semaphore_mem>>)
        %dma_wait3A_73 = arith.constant 0 : i32
        %dma_wait3A_74 = arith.constant 0 : i32
        %dma_wait3A_75 = tpu.memref_slice %arg8[%dma_wait3A_73, %dma_wait3A_74] : memref<1024x128xf32, #tpu.memory_space<vmem_shared>> -> memref<64x128xf32, #tpu.memory_space<vmem_shared>>
        %dma_wait3A_76 = arith.constant 0 : i32
        %dma_wait3A_77 = arith.constant 0 : i32
        %dma_wait3A_78 = tpu.memref_slice %arg8[%dma_wait3A_76, %dma_wait3A_77] : memref<1024x128xf32, #tpu.memory_space<vmem_shared>> -> memref<64x128xf32, #tpu.memory_space<vmem_shared>>
        tpu.wait_dma2 semaphore(%run_scoped3A_66 : memref<!tpu.dma_semaphore, #tpu.memory_space<semaphore_mem>>) src(%arg7 : memref<64x128xf32, #tpu.memory_space<vmem>>) dst(%dma_wait3A_78 : memref<64x128xf32, #tpu.memory_space<vmem_shared>>)
        tpu.yield
      }) : () -> ()
      "tpu.region"() ({
        %run_scoped3A_66 = tpu.sem_alloc : memref<!tpu.dma_semaphore, #tpu.memory_space<semaphore_mem>>
        %dma_start3A_67 = arith.constant 64 : i32
        %dma_start3A_68 = arith.constant 0 : i32
        %dma_start3A_69 = tpu.memref_slice %arg8[%dma_start3A_67, %dma_start3A_68] : memref<1024x128xf32, #tpu.memory_space<vmem_shared>> -> memref<64x128xf32, #tpu.memory_space<vmem_shared>>
        %dma_start3A_70 = arith.constant 64 : i32
        %dma_start3A_71 = arith.constant 0 : i32
        %dma_start3A_72 = tpu.memref_slice %arg8[%dma_start3A_70, %dma_start3A_71] : memref<1024x128xf32, #tpu.memory_space<vmem_shared>> -> memref<64x128xf32, #tpu.memory_space<vmem_shared>>
        tpu.enqueue_dma source(%arg7 : memref<64x128xf32, #tpu.memory_space<vmem>>) target(%dma_start3A_72 : memref<64x128xf32, #tpu.memory_space<vmem_shared>>) target_semaphore(%run_scoped3A_66 : memref<!tpu.dma_semaphore, #tpu.memory_space<semaphore_mem>>)
        %dma_wait3A_73 = arith.constant 64 : i32
        %dma_wait3A_74 = arith.constant 0 : i32
        %dma_wait3A_75 = tpu.memref_slice %arg8[%dma_wait3A_73, %dma_wait3A_74] : memref<1024x128xf32, #tpu.memory_space<vmem_shared>> -> memref<64x128xf32, #tpu.memory_space<vmem_shared>>
        %dma_wait3A_76 = arith.constant 64 : i32
        %dma_wait3A_77 = arith.constant 0 : i32
        %dma_wait3A_78 = tpu.memref_slice %arg8[%dma_wait3A_76, %dma_wait3A_77] : memref<1024x128xf32, #tpu.memory_space<vmem_shared>> -> memref<64x128xf32, #tpu.memory_space<vmem_shared>>
        tpu.wait_dma2 semaphore(%run_scoped3A_66 : memref<!tpu.dma_semaphore, #tpu.memory_space<semaphore_mem>>) src(%arg7 : memref<64x128xf32, #tpu.memory_space<vmem>>) dst(%dma_wait3A_78 : memref<64x128xf32, #tpu.memory_space<vmem_shared>>)
        tpu.yield
      }) : () -> ()
      "tpu.region"() ({
        %run_scoped3A_66 = tpu.sem_alloc : memref<!tpu.dma_semaphore, #tpu.memory_space<semaphore_mem>>
        %dma_start3A_67 = arith.constant 128 : i32
        %dma_start3A_68 = arith.constant 0 : i32
        %dma_start3A_69 = tpu.memref_slice %arg8[%dma_start3A_67, %dma_start3A_68] : memref<1024x128xf32, #tpu.memory_space<vmem_shared>> -> memref<64x128xf32, #tpu.memory_space<vmem_shared>>
        %dma_start3A_70 = arith.constant 128 : i32
        %dma_start3A_71 = arith.constant 0 : i32
        %dma_start3A_72 = tpu.memref_slice %arg8[%dma_start3A_70, %dma_start3A_71] : memref<1024x128xf32, #tpu.memory_space<vmem_shared>> -> memref<64x128xf32, #tpu.memory_space<vmem_shared>>
        tpu.enqueue_dma source(%arg7 : memref<64x128xf32, #tpu.memory_space<vmem>>) target(%dma_start3A_72 : memref<64x128xf32, #tpu.memory_space<vmem_shared>>) target_semaphore(%run_scoped3A_66 : memref<!tpu.dma_semaphore, #tpu.memory_space<semaphore_mem>>)
        %dma_wait3A_73 = arith.constant 128 : i32
        %dma_wait3A_74 = arith.constant 0 : i32
        %dma_wait3A_75 = tpu.memref_slice %arg8[%dma_wait3A_73, %dma_wait3A_74] : memref<1024x128xf32, #tpu.memory_space<vmem_shared>> -> memref<64x128xf32, #tpu.memory_space<vmem_shared>>
        %dma_wait3A_76 = arith.constant 128 : i32
        %dma_wait3A_77 = arith.constant 0 : i32
        %dma_wait3A_78 = tpu.memref_slice %arg8[%dma_wait3A_76, %dma_wait3A_77] : memref<1024x128xf32, #tpu.memory_space<vmem_shared>> -> memref<64x128xf32, #tpu.memory_space<vmem_shared>>
        tpu.wait_dma2 semaphore(%run_scoped3A_66 : memref<!tpu.dma_semaphore, #tpu.memory_space<semaphore_mem>>) src(%arg7 : memref<64x128xf32, #tpu.memory_space<vmem>>) dst(%dma_wait3A_78 : memref<64x128xf32, #tpu.memory_space<vmem_shared>>)
        tpu.yield
      }) : () -> ()
      "tpu.region"() ({
        %run_scoped3A_66 = tpu.sem_alloc : memref<!tpu.dma_semaphore, #tpu.memory_space<semaphore_mem>>
        %dma_start3A_67 = arith.constant 192 : i32
        %dma_start3A_68 = arith.constant 0 : i32
        %dma_start3A_69 = tpu.memref_slice %arg8[%dma_start3A_67, %dma_start3A_68] : memref<1024x128xf32, #tpu.memory_space<vmem_shared>> -> memref<64x128xf32, #tpu.memory_space<vmem_shared>>
        %dma_start3A_70 = arith.constant 192 : i32
        %dma_start3A_71 = arith.constant 0 : i32
        %dma_start3A_72 = tpu.memref_slice %arg8[%dma_start3A_70, %dma_start3A_71] : memref<1024x128xf32, #tpu.memory_space<vmem_shared>> -> memref<64x128xf32, #tpu.memory_space<vmem_shared>>
        tpu.enqueue_dma source(%arg7 : memref<64x128xf32, #tpu.memory_space<vmem>>) target(%dma_start3A_72 : memref<64x128xf32, #tpu.memory_space<vmem_shared>>) target_semaphore(%run_scoped3A_66 : memref<!tpu.dma_semaphore, #tpu.memory_space<semaphore_mem>>)
        %dma_wait3A_73 = arith.constant 192 : i32
        %dma_wait3A_74 = arith.constant 0 : i32
        %dma_wait3A_75 = tpu.memref_slice %arg8[%dma_wait3A_73, %dma_wait3A_74] : memref<1024x128xf32, #tpu.memory_space<vmem_shared>> -> memref<64x128xf32, #tpu.memory_space<vmem_shared>>
        %dma_wait3A_76 = arith.constant 192 : i32
        %dma_wait3A_77 = arith.constant 0 : i32
        %dma_wait3A_78 = tpu.memref_slice %arg8[%dma_wait3A_76, %dma_wait3A_77] : memref<1024x128xf32, #tpu.memory_space<vmem_shared>> -> memref<64x128xf32, #tpu.memory_space<vmem_shared>>
        tpu.wait_dma2 semaphore(%run_scoped3A_66 : memref<!tpu.dma_semaphore, #tpu.memory_space<semaphore_mem>>) src(%arg7 : memref<64x128xf32, #tpu.memory_space<vmem>>) dst(%dma_wait3A_78 : memref<64x128xf32, #tpu.memory_space<vmem_shared>>)
        tpu.yield
      }) : () -> ()
      "tpu.region"() ({
        %run_scoped3A_66 = tpu.sem_alloc : memref<!tpu.dma_semaphore, #tpu.memory_space<semaphore_mem>>
        %dma_start3A_67 = arith.constant 256 : i32
        %dma_start3A_68 = arith.constant 0 : i32
        %dma_start3A_69 = tpu.memref_slice %arg8[%dma_start3A_67, %dma_start3A_68] : memref<1024x128xf32, #tpu.memory_space<vmem_shared>> -> memref<64x128xf32, #tpu.memory_space<vmem_shared>>
        %dma_start3A_70 = arith.constant 256 : i32
        %dma_start3A_71 = arith.constant 0 : i32
        %dma_start3A_72 = tpu.memref_slice %arg8[%dma_start3A_70, %dma_start3A_71] : memref<1024x128xf32, #tpu.memory_space<vmem_shared>> -> memref<64x128xf32, #tpu.memory_space<vmem_shared>>
        tpu.enqueue_dma source(%arg7 : memref<64x128xf32, #tpu.memory_space<vmem>>) target(%dma_start3A_72 : memref<64x128xf32, #tpu.memory_space<vmem_shared>>) target_semaphore(%run_scoped3A_66 : memref<!tpu.dma_semaphore, #tpu.memory_space<semaphore_mem>>)
        %dma_wait3A_73 = arith.constant 256 : i32
        %dma_wait3A_74 = arith.constant 0 : i32
        %dma_wait3A_75 = tpu.memref_slice %arg8[%dma_wait3A_73, %dma_wait3A_74] : memref<1024x128xf32, #tpu.memory_space<vmem_shared>> -> memref<64x128xf32, #tpu.memory_space<vmem_shared>>
        %dma_wait3A_76 = arith.constant 256 : i32
        %dma_wait3A_77 = arith.constant 0 : i32
        %dma_wait3A_78 = tpu.memref_slice %arg8[%dma_wait3A_76, %dma_wait3A_77] : memref<1024x128xf32, #tpu.memory_space<vmem_shared>> -> memref<64x128xf32, #tpu.memory_space<vmem_shared>>
        tpu.wait_dma2 semaphore(%run_scoped3A_66 : memref<!tpu.dma_semaphore, #tpu.memory_space<semaphore_mem>>) src(%arg7 : memref<64x128xf32, #tpu.memory_space<vmem>>) dst(%dma_wait3A_78 : memref<64x128xf32, #tpu.memory_space<vmem_shared>>)
        tpu.yield
      }) : () -> ()
      "tpu.region"() ({
        %run_scoped3A_66 = tpu.sem_alloc : memref<!tpu.dma_semaphore, #tpu.memory_space<semaphore_mem>>
        %dma_start3A_67 = arith.constant 320 : i32
        %dma_start3A_68 = arith.constant 0 : i32
        %dma_start3A_69 = tpu.memref_slice %arg8[%dma_start3A_67, %dma_start3A_68] : memref<1024x128xf32, #tpu.memory_space<vmem_shared>> -> memref<64x128xf32, #tpu.memory_space<vmem_shared>>
        %dma_start3A_70 = arith.constant 320 : i32
        %dma_start3A_71 = arith.constant 0 : i32
        %dma_start3A_72 = tpu.memref_slice %arg8[%dma_start3A_70, %dma_start3A_71] : memref<1024x128xf32, #tpu.memory_space<vmem_shared>> -> memref<64x128xf32, #tpu.memory_space<vmem_shared>>
        tpu.enqueue_dma source(%arg7 : memref<64x128xf32, #tpu.memory_space<vmem>>) target(%dma_start3A_72 : memref<64x128xf32, #tpu.memory_space<vmem_shared>>) target_semaphore(%run_scoped3A_66 : memref<!tpu.dma_semaphore, #tpu.memory_space<semaphore_mem>>)
        %dma_wait3A_73 = arith.constant 320 : i32
        %dma_wait3A_74 = arith.constant 0 : i32
        %dma_wait3A_75 = tpu.memref_slice %arg8[%dma_wait3A_73, %dma_wait3A_74] : memref<1024x128xf32, #tpu.memory_space<vmem_shared>> -> memref<64x128xf32, #tpu.memory_space<vmem_shared>>
        %dma_wait3A_76 = arith.constant 320 : i32
        %dma_wait3A_77 = arith.constant 0 : i32
        %dma_wait3A_78 = tpu.memref_slice %arg8[%dma_wait3A_76, %dma_wait3A_77] : memref<1024x128xf32, #tpu.memory_space<vmem_shared>> -> memref<64x128xf32, #tpu.memory_space<vmem_shared>>
        tpu.wait_dma2 semaphore(%run_scoped3A_66 : memref<!tpu.dma_semaphore, #tpu.memory_space<semaphore_mem>>) src(%arg7 : memref<64x128xf32, #tpu.memory_space<vmem>>) dst(%dma_wait3A_78 : memref<64x128xf32, #tpu.memory_space<vmem_shared>>)
        tpu.yield
      }) : () -> ()
      "tpu.region"() ({
        %run_scoped3A_66 = tpu.sem_alloc : memref<!tpu.dma_semaphore, #tpu.memory_space<semaphore_mem>>
        %dma_start3A_67 = arith.constant 384 : i32
        %dma_start3A_68 = arith.constant 0 : i32
        %dma_start3A_69 = tpu.memref_slice %arg8[%dma_start3A_67, %dma_start3A_68] : memref<1024x128xf32, #tpu.memory_space<vmem_shared>> -> memref<64x128xf32, #tpu.memory_space<vmem_shared>>
        %dma_start3A_70 = arith.constant 384 : i32
        %dma_start3A_71 = arith.constant 0 : i32
        %dma_start3A_72 = tpu.memref_slice %arg8[%dma_start3A_70, %dma_start3A_71] : memref<1024x128xf32, #tpu.memory_space<vmem_shared>> -> memref<64x128xf32, #tpu.memory_space<vmem_shared>>
        tpu.enqueue_dma source(%arg7 : memref<64x128xf32, #tpu.memory_space<vmem>>) target(%dma_start3A_72 : memref<64x128xf32, #tpu.memory_space<vmem_shared>>) target_semaphore(%run_scoped3A_66 : memref<!tpu.dma_semaphore, #tpu.memory_space<semaphore_mem>>)
        %dma_wait3A_73 = arith.constant 384 : i32
        %dma_wait3A_74 = arith.constant 0 : i32
        %dma_wait3A_75 = tpu.memref_slice %arg8[%dma_wait3A_73, %dma_wait3A_74] : memref<1024x128xf32, #tpu.memory_space<vmem_shared>> -> memref<64x128xf32, #tpu.memory_space<vmem_shared>>
        %dma_wait3A_76 = arith.constant 384 : i32
        %dma_wait3A_77 = arith.constant 0 : i32
        %dma_wait3A_78 = tpu.memref_slice %arg8[%dma_wait3A_76, %dma_wait3A_77] : memref<1024x128xf32, #tpu.memory_space<vmem_shared>> -> memref<64x128xf32, #tpu.memory_space<vmem_shared>>
        tpu.wait_dma2 semaphore(%run_scoped3A_66 : memref<!tpu.dma_semaphore, #tpu.memory_space<semaphore_mem>>) src(%arg7 : memref<64x128xf32, #tpu.memory_space<vmem>>) dst(%dma_wait3A_78 : memref<64x128xf32, #tpu.memory_space<vmem_shared>>)
        tpu.yield
      }) : () -> ()
      "tpu.region"() ({
        %run_scoped3A_66 = tpu.sem_alloc : memref<!tpu.dma_semaphore, #tpu.memory_space<semaphore_mem>>
        %dma_start3A_67 = arith.constant 448 : i32
        %dma_start3A_68 = arith.constant 0 : i32
        %dma_start3A_69 = tpu.memref_slice %arg8[%dma_start3A_67, %dma_start3A_68] : memref<1024x128xf32, #tpu.memory_space<vmem_shared>> -> memref<64x128xf32, #tpu.memory_space<vmem_shared>>
        %dma_start3A_70 = arith.constant 448 : i32
        %dma_start3A_71 = arith.constant 0 : i32
        %dma_start3A_72 = tpu.memref_slice %arg8[%dma_start3A_70, %dma_start3A_71] : memref<1024x128xf32, #tpu.memory_space<vmem_shared>> -> memref<64x128xf32, #tpu.memory_space<vmem_shared>>
        tpu.enqueue_dma source(%arg7 : memref<64x128xf32, #tpu.memory_space<vmem>>) target(%dma_start3A_72 : memref<64x128xf32, #tpu.memory_space<vmem_shared>>) target_semaphore(%run_scoped3A_66 : memref<!tpu.dma_semaphore, #tpu.memory_space<semaphore_mem>>)
        %dma_wait3A_73 = arith.constant 448 : i32
        %dma_wait3A_74 = arith.constant 0 : i32
        %dma_wait3A_75 = tpu.memref_slice %arg8[%dma_wait3A_73, %dma_wait3A_74] : memref<1024x128xf32, #tpu.memory_space<vmem_shared>> -> memref<64x128xf32, #tpu.memory_space<vmem_shared>>
        %dma_wait3A_76 = arith.constant 448 : i32
        %dma_wait3A_77 = arith.constant 0 : i32
        %dma_wait3A_78 = tpu.memref_slice %arg8[%dma_wait3A_76, %dma_wait3A_77] : memref<1024x128xf32, #tpu.memory_space<vmem_shared>> -> memref<64x128xf32, #tpu.memory_space<vmem_shared>>
        tpu.wait_dma2 semaphore(%run_scoped3A_66 : memref<!tpu.dma_semaphore, #tpu.memory_space<semaphore_mem>>) src(%arg7 : memref<64x128xf32, #tpu.memory_space<vmem>>) dst(%dma_wait3A_78 : memref<64x128xf32, #tpu.memory_space<vmem_shared>>)
        tpu.yield
      }) : () -> ()
      "tpu.region"() ({
        %run_scoped3A_66 = tpu.sem_alloc : memref<!tpu.dma_semaphore, #tpu.memory_space<semaphore_mem>>
        %dma_start3A_67 = arith.constant 512 : i32
        %dma_start3A_68 = arith.constant 0 : i32
        %dma_start3A_69 = tpu.memref_slice %arg8[%dma_start3A_67, %dma_start3A_68] : memref<1024x128xf32, #tpu.memory_space<vmem_shared>> -> memref<64x128xf32, #tpu.memory_space<vmem_shared>>
        %dma_start3A_70 = arith.constant 512 : i32
        %dma_start3A_71 = arith.constant 0 : i32
        %dma_start3A_72 = tpu.memref_slice %arg8[%dma_start3A_70, %dma_start3A_71] : memref<1024x128xf32, #tpu.memory_space<vmem_shared>> -> memref<64x128xf32, #tpu.memory_space<vmem_shared>>
        tpu.enqueue_dma source(%arg7 : memref<64x128xf32, #tpu.memory_space<vmem>>) target(%dma_start3A_72 : memref<64x128xf32, #tpu.memory_space<vmem_shared>>) target_semaphore(%run_scoped3A_66 : memref<!tpu.dma_semaphore, #tpu.memory_space<semaphore_mem>>)
        %dma_wait3A_73 = arith.constant 512 : i32
        %dma_wait3A_74 = arith.constant 0 : i32
        %dma_wait3A_75 = tpu.memref_slice %arg8[%dma_wait3A_73, %dma_wait3A_74] : memref<1024x128xf32, #tpu.memory_space<vmem_shared>> -> memref<64x128xf32, #tpu.memory_space<vmem_shared>>
        %dma_wait3A_76 = arith.constant 512 : i32
        %dma_wait3A_77 = arith.constant 0 : i32
        %dma_wait3A_78 = tpu.memref_slice %arg8[%dma_wait3A_76, %dma_wait3A_77] : memref<1024x128xf32, #tpu.memory_space<vmem_shared>> -> memref<64x128xf32, #tpu.memory_space<vmem_shared>>
        tpu.wait_dma2 semaphore(%run_scoped3A_66 : memref<!tpu.dma_semaphore, #tpu.memory_space<semaphore_mem>>) src(%arg7 : memref<64x128xf32, #tpu.memory_space<vmem>>) dst(%dma_wait3A_78 : memref<64x128xf32, #tpu.memory_space<vmem_shared>>)
        tpu.yield
      }) : () -> ()
      "tpu.region"() ({
        %run_scoped3A_66 = tpu.sem_alloc : memref<!tpu.dma_semaphore, #tpu.memory_space<semaphore_mem>>
        %dma_start3A_67 = arith.constant 576 : i32
        %dma_start3A_68 = arith.constant 0 : i32
        %dma_start3A_69 = tpu.memref_slice %arg8[%dma_start3A_67, %dma_start3A_68] : memref<1024x128xf32, #tpu.memory_space<vmem_shared>> -> memref<64x128xf32, #tpu.memory_space<vmem_shared>>
        %dma_start3A_70 = arith.constant 576 : i32
        %dma_start3A_71 = arith.constant 0 : i32
        %dma_start3A_72 = tpu.memref_slice %arg8[%dma_start3A_70, %dma_start3A_71] : memref<1024x128xf32, #tpu.memory_space<vmem_shared>> -> memref<64x128xf32, #tpu.memory_space<vmem_shared>>
        tpu.enqueue_dma source(%arg7 : memref<64x128xf32, #tpu.memory_space<vmem>>) target(%dma_start3A_72 : memref<64x128xf32, #tpu.memory_space<vmem_shared>>) target_semaphore(%run_scoped3A_66 : memref<!tpu.dma_semaphore, #tpu.memory_space<semaphore_mem>>)
        %dma_wait3A_73 = arith.constant 576 : i32
        %dma_wait3A_74 = arith.constant 0 : i32
        %dma_wait3A_75 = tpu.memref_slice %arg8[%dma_wait3A_73, %dma_wait3A_74] : memref<1024x128xf32, #tpu.memory_space<vmem_shared>> -> memref<64x128xf32, #tpu.memory_space<vmem_shared>>
        %dma_wait3A_76 = arith.constant 576 : i32
        %dma_wait3A_77 = arith.constant 0 : i32
        %dma_wait3A_78 = tpu.memref_slice %arg8[%dma_wait3A_76, %dma_wait3A_77] : memref<1024x128xf32, #tpu.memory_space<vmem_shared>> -> memref<64x128xf32, #tpu.memory_space<vmem_shared>>
        tpu.wait_dma2 semaphore(%run_scoped3A_66 : memref<!tpu.dma_semaphore, #tpu.memory_space<semaphore_mem>>) src(%arg7 : memref<64x128xf32, #tpu.memory_space<vmem>>) dst(%dma_wait3A_78 : memref<64x128xf32, #tpu.memory_space<vmem_shared>>)
        tpu.yield
      }) : () -> ()
      "tpu.region"() ({
        %run_scoped3A_66 = tpu.sem_alloc : memref<!tpu.dma_semaphore, #tpu.memory_space<semaphore_mem>>
        %dma_start3A_67 = arith.constant 640 : i32
        %dma_start3A_68 = arith.constant 0 : i32
        %dma_start3A_69 = tpu.memref_slice %arg8[%dma_start3A_67, %dma_start3A_68] : memref<1024x128xf32, #tpu.memory_space<vmem_shared>> -> memref<64x128xf32, #tpu.memory_space<vmem_shared>>
        %dma_start3A_70 = arith.constant 640 : i32
        %dma_start3A_71 = arith.constant 0 : i32
        %dma_start3A_72 = tpu.memref_slice %arg8[%dma_start3A_70, %dma_start3A_71] : memref<1024x128xf32, #tpu.memory_space<vmem_shared>> -> memref<64x128xf32, #tpu.memory_space<vmem_shared>>
        tpu.enqueue_dma source(%arg7 : memref<64x128xf32, #tpu.memory_space<vmem>>) target(%dma_start3A_72 : memref<64x128xf32, #tpu.memory_space<vmem_shared>>) target_semaphore(%run_scoped3A_66 : memref<!tpu.dma_semaphore, #tpu.memory_space<semaphore_mem>>)
        %dma_wait3A_73 = arith.constant 640 : i32
        %dma_wait3A_74 = arith.constant 0 : i32
        %dma_wait3A_75 = tpu.memref_slice %arg8[%dma_wait3A_73, %dma_wait3A_74] : memref<1024x128xf32, #tpu.memory_space<vmem_shared>> -> memref<64x128xf32, #tpu.memory_space<vmem_shared>>
        %dma_wait3A_76 = arith.constant 640 : i32
        %dma_wait3A_77 = arith.constant 0 : i32
        %dma_wait3A_78 = tpu.memref_slice %arg8[%dma_wait3A_76, %dma_wait3A_77] : memref<1024x128xf32, #tpu.memory_space<vmem_shared>> -> memref<64x128xf32, #tpu.memory_space<vmem_shared>>
        tpu.wait_dma2 semaphore(%run_scoped3A_66 : memref<!tpu.dma_semaphore, #tpu.memory_space<semaphore_mem>>) src(%arg7 : memref<64x128xf32, #tpu.memory_space<vmem>>) dst(%dma_wait3A_78 : memref<64x128xf32, #tpu.memory_space<vmem_shared>>)
        tpu.yield
      }) : () -> ()
      "tpu.region"() ({
        %run_scoped3A_66 = tpu.sem_alloc : memref<!tpu.dma_semaphore, #tpu.memory_space<semaphore_mem>>
        %dma_start3A_67 = arith.constant 704 : i32
        %dma_start3A_68 = arith.constant 0 : i32
        %dma_start3A_69 = tpu.memref_slice %arg8[%dma_start3A_67, %dma_start3A_68] : memref<1024x128xf32, #tpu.memory_space<vmem_shared>> -> memref<64x128xf32, #tpu.memory_space<vmem_shared>>
        %dma_start3A_70 = arith.constant 704 : i32
        %dma_start3A_71 = arith.constant 0 : i32
        %dma_start3A_72 = tpu.memref_slice %arg8[%dma_start3A_70, %dma_start3A_71] : memref<1024x128xf32, #tpu.memory_space<vmem_shared>> -> memref<64x128xf32, #tpu.memory_space<vmem_shared>>
        tpu.enqueue_dma source(%arg7 : memref<64x128xf32, #tpu.memory_space<vmem>>) target(%dma_start3A_72 : memref<64x128xf32, #tpu.memory_space<vmem_shared>>) target_semaphore(%run_scoped3A_66 : memref<!tpu.dma_semaphore, #tpu.memory_space<semaphore_mem>>)
        %dma_wait3A_73 = arith.constant 704 : i32
        %dma_wait3A_74 = arith.constant 0 : i32
        %dma_wait3A_75 = tpu.memref_slice %arg8[%dma_wait3A_73, %dma_wait3A_74] : memref<1024x128xf32, #tpu.memory_space<vmem_shared>> -> memref<64x128xf32, #tpu.memory_space<vmem_shared>>
        %dma_wait3A_76 = arith.constant 704 : i32
        %dma_wait3A_77 = arith.constant 0 : i32
        %dma_wait3A_78 = tpu.memref_slice %arg8[%dma_wait3A_76, %dma_wait3A_77] : memref<1024x128xf32, #tpu.memory_space<vmem_shared>> -> memref<64x128xf32, #tpu.memory_space<vmem_shared>>
        tpu.wait_dma2 semaphore(%run_scoped3A_66 : memref<!tpu.dma_semaphore, #tpu.memory_space<semaphore_mem>>) src(%arg7 : memref<64x128xf32, #tpu.memory_space<vmem>>) dst(%dma_wait3A_78 : memref<64x128xf32, #tpu.memory_space<vmem_shared>>)
        tpu.yield
      }) : () -> ()
      "tpu.region"() ({
        %run_scoped3A_66 = tpu.sem_alloc : memref<!tpu.dma_semaphore, #tpu.memory_space<semaphore_mem>>
        %dma_start3A_67 = arith.constant 768 : i32
        %dma_start3A_68 = arith.constant 0 : i32
        %dma_start3A_69 = tpu.memref_slice %arg8[%dma_start3A_67, %dma_start3A_68] : memref<1024x128xf32, #tpu.memory_space<vmem_shared>> -> memref<64x128xf32, #tpu.memory_space<vmem_shared>>
        %dma_start3A_70 = arith.constant 768 : i32
        %dma_start3A_71 = arith.constant 0 : i32
        %dma_start3A_72 = tpu.memref_slice %arg8[%dma_start3A_70, %dma_start3A_71] : memref<1024x128xf32, #tpu.memory_space<vmem_shared>> -> memref<64x128xf32, #tpu.memory_space<vmem_shared>>
        tpu.enqueue_dma source(%arg7 : memref<64x128xf32, #tpu.memory_space<vmem>>) target(%dma_start3A_72 : memref<64x128xf32, #tpu.memory_space<vmem_shared>>) target_semaphore(%run_scoped3A_66 : memref<!tpu.dma_semaphore, #tpu.memory_space<semaphore_mem>>)
        %dma_wait3A_73 = arith.constant 768 : i32
        %dma_wait3A_74 = arith.constant 0 : i32
        %dma_wait3A_75 = tpu.memref_slice %arg8[%dma_wait3A_73, %dma_wait3A_74] : memref<1024x128xf32, #tpu.memory_space<vmem_shared>> -> memref<64x128xf32, #tpu.memory_space<vmem_shared>>
        %dma_wait3A_76 = arith.constant 768 : i32
        %dma_wait3A_77 = arith.constant 0 : i32
        %dma_wait3A_78 = tpu.memref_slice %arg8[%dma_wait3A_76, %dma_wait3A_77] : memref<1024x128xf32, #tpu.memory_space<vmem_shared>> -> memref<64x128xf32, #tpu.memory_space<vmem_shared>>
        tpu.wait_dma2 semaphore(%run_scoped3A_66 : memref<!tpu.dma_semaphore, #tpu.memory_space<semaphore_mem>>) src(%arg7 : memref<64x128xf32, #tpu.memory_space<vmem>>) dst(%dma_wait3A_78 : memref<64x128xf32, #tpu.memory_space<vmem_shared>>)
        tpu.yield
      }) : () -> ()
      "tpu.region"() ({
        %run_scoped3A_66 = tpu.sem_alloc : memref<!tpu.dma_semaphore, #tpu.memory_space<semaphore_mem>>
        %dma_start3A_67 = arith.constant 832 : i32
        %dma_start3A_68 = arith.constant 0 : i32
        %dma_start3A_69 = tpu.memref_slice %arg8[%dma_start3A_67, %dma_start3A_68] : memref<1024x128xf32, #tpu.memory_space<vmem_shared>> -> memref<64x128xf32, #tpu.memory_space<vmem_shared>>
        %dma_start3A_70 = arith.constant 832 : i32
        %dma_start3A_71 = arith.constant 0 : i32
        %dma_start3A_72 = tpu.memref_slice %arg8[%dma_start3A_70, %dma_start3A_71] : memref<1024x128xf32, #tpu.memory_space<vmem_shared>> -> memref<64x128xf32, #tpu.memory_space<vmem_shared>>
        tpu.enqueue_dma source(%arg7 : memref<64x128xf32, #tpu.memory_space<vmem>>) target(%dma_start3A_72 : memref<64x128xf32, #tpu.memory_space<vmem_shared>>) target_semaphore(%run_scoped3A_66 : memref<!tpu.dma_semaphore, #tpu.memory_space<semaphore_mem>>)
        %dma_wait3A_73 = arith.constant 832 : i32
        %dma_wait3A_74 = arith.constant 0 : i32
        %dma_wait3A_75 = tpu.memref_slice %arg8[%dma_wait3A_73, %dma_wait3A_74] : memref<1024x128xf32, #tpu.memory_space<vmem_shared>> -> memref<64x128xf32, #tpu.memory_space<vmem_shared>>
        %dma_wait3A_76 = arith.constant 832 : i32
        %dma_wait3A_77 = arith.constant 0 : i32
        %dma_wait3A_78 = tpu.memref_slice %arg8[%dma_wait3A_76, %dma_wait3A_77] : memref<1024x128xf32, #tpu.memory_space<vmem_shared>> -> memref<64x128xf32, #tpu.memory_space<vmem_shared>>
        tpu.wait_dma2 semaphore(%run_scoped3A_66 : memref<!tpu.dma_semaphore, #tpu.memory_space<semaphore_mem>>) src(%arg7 : memref<64x128xf32, #tpu.memory_space<vmem>>) dst(%dma_wait3A_78 : memref<64x128xf32, #tpu.memory_space<vmem_shared>>)
        tpu.yield
      }) : () -> ()
      "tpu.region"() ({
        %run_scoped3A_66 = tpu.sem_alloc : memref<!tpu.dma_semaphore, #tpu.memory_space<semaphore_mem>>
        %dma_start3A_67 = arith.constant 896 : i32
        %dma_start3A_68 = arith.constant 0 : i32
        %dma_start3A_69 = tpu.memref_slice %arg8[%dma_start3A_67, %dma_start3A_68] : memref<1024x128xf32, #tpu.memory_space<vmem_shared>> -> memref<64x128xf32, #tpu.memory_space<vmem_shared>>
        %dma_start3A_70 = arith.constant 896 : i32
        %dma_start3A_71 = arith.constant 0 : i32
        %dma_start3A_72 = tpu.memref_slice %arg8[%dma_start3A_70, %dma_start3A_71] : memref<1024x128xf32, #tpu.memory_space<vmem_shared>> -> memref<64x128xf32, #tpu.memory_space<vmem_shared>>
        tpu.enqueue_dma source(%arg7 : memref<64x128xf32, #tpu.memory_space<vmem>>) target(%dma_start3A_72 : memref<64x128xf32, #tpu.memory_space<vmem_shared>>) target_semaphore(%run_scoped3A_66 : memref<!tpu.dma_semaphore, #tpu.memory_space<semaphore_mem>>)
        %dma_wait3A_73 = arith.constant 896 : i32
        %dma_wait3A_74 = arith.constant 0 : i32
        %dma_wait3A_75 = tpu.memref_slice %arg8[%dma_wait3A_73, %dma_wait3A_74] : memref<1024x128xf32, #tpu.memory_space<vmem_shared>> -> memref<64x128xf32, #tpu.memory_space<vmem_shared>>
        %dma_wait3A_76 = arith.constant 896 : i32
        %dma_wait3A_77 = arith.constant 0 : i32
        %dma_wait3A_78 = tpu.memref_slice %arg8[%dma_wait3A_76, %dma_wait3A_77] : memref<1024x128xf32, #tpu.memory_space<vmem_shared>> -> memref<64x128xf32, #tpu.memory_space<vmem_shared>>
        tpu.wait_dma2 semaphore(%run_scoped3A_66 : memref<!tpu.dma_semaphore, #tpu.memory_space<semaphore_mem>>) src(%arg7 : memref<64x128xf32, #tpu.memory_space<vmem>>) dst(%dma_wait3A_78 : memref<64x128xf32, #tpu.memory_space<vmem_shared>>)
        tpu.yield
      }) : () -> ()
      "tpu.region"() ({
        %run_scoped3A_66 = tpu.sem_alloc : memref<!tpu.dma_semaphore, #tpu.memory_space<semaphore_mem>>
        %dma_start3A_67 = arith.constant 960 : i32
        %dma_start3A_68 = arith.constant 0 : i32
        %dma_start3A_69 = tpu.memref_slice %arg8[%dma_start3A_67, %dma_start3A_68] : memref<1024x128xf32, #tpu.memory_space<vmem_shared>> -> memref<64x128xf32, #tpu.memory_space<vmem_shared>>
        %dma_start3A_70 = arith.constant 960 : i32
        %dma_start3A_71 = arith.constant 0 : i32
        %dma_start3A_72 = tpu.memref_slice %arg8[%dma_start3A_70, %dma_start3A_71] : memref<1024x128xf32, #tpu.memory_space<vmem_shared>> -> memref<64x128xf32, #tpu.memory_space<vmem_shared>>
        tpu.enqueue_dma source(%arg7 : memref<64x128xf32, #tpu.memory_space<vmem>>) target(%dma_start3A_72 : memref<64x128xf32, #tpu.memory_space<vmem_shared>>) target_semaphore(%run_scoped3A_66 : memref<!tpu.dma_semaphore, #tpu.memory_space<semaphore_mem>>)
        %dma_wait3A_73 = arith.constant 960 : i32
        %dma_wait3A_74 = arith.constant 0 : i32
        %dma_wait3A_75 = tpu.memref_slice %arg8[%dma_wait3A_73, %dma_wait3A_74] : memref<1024x128xf32, #tpu.memory_space<vmem_shared>> -> memref<64x128xf32, #tpu.memory_space<vmem_shared>>
        %dma_wait3A_76 = arith.constant 960 : i32
        %dma_wait3A_77 = arith.constant 0 : i32
        %dma_wait3A_78 = tpu.memref_slice %arg8[%dma_wait3A_76, %dma_wait3A_77] : memref<1024x128xf32, #tpu.memory_space<vmem_shared>> -> memref<64x128xf32, #tpu.memory_space<vmem_shared>>
        tpu.wait_dma2 semaphore(%run_scoped3A_66 : memref<!tpu.dma_semaphore, #tpu.memory_space<semaphore_mem>>) src(%arg7 : memref<64x128xf32, #tpu.memory_space<vmem>>) dst(%dma_wait3A_78 : memref<64x128xf32, #tpu.memory_space<vmem_shared>>)
        tpu.yield
      }) : () -> ()
    } else {
    }
    "tpu.region"() ({
      %run_scoped3A_66 = tpu.sem_alloc : memref<!tpu.dma_semaphore, #tpu.memory_space<semaphore_mem>>
      %dma_start3A_67 = tpu.memref_slice %arg3[%mul3A_2] : memref<320000xi32, #tpu.memory_space<hbm>> -> memref<10000xi32, #tpu.memory_space<hbm>>
      %dma_start3A_68 = tpu.memref_slice %arg3[%mul3A_2] : memref<320000xi32, #tpu.memory_space<hbm>> -> memref<10000xi32, #tpu.memory_space<hbm>>
      tpu.enqueue_dma source(%dma_start3A_68 : memref<10000xi32, #tpu.memory_space<hbm>>) target(%arg6 : memref<10000xi32, #tpu.memory_space<vmem>>) target_semaphore(%run_scoped3A_66 : memref<!tpu.dma_semaphore, #tpu.memory_space<semaphore_mem>>)
      %dma_wait3A_69 = tpu.memref_slice %arg3[%mul3A_2] : memref<320000xi32, #tpu.memory_space<hbm>> -> memref<10000xi32, #tpu.memory_space<hbm>>
      %dma_wait3A_70 = tpu.memref_slice %arg3[%mul3A_2] : memref<320000xi32, #tpu.memory_space<hbm>> -> memref<10000xi32, #tpu.memory_space<hbm>>
      tpu.wait_dma2 semaphore(%run_scoped3A_66 : memref<!tpu.dma_semaphore, #tpu.memory_space<semaphore_mem>>) src(%dma_wait3A_70 : memref<10000xi32, #tpu.memory_space<hbm>>) dst(%arg6 : memref<10000xi32, #tpu.memory_space<vmem>>)
      tpu.yield
    }) : () -> ()
    %barrier3A = arith.constant 0 : index
    tpu.barrier barrier_id(%barrier3A)
    %add3A_12 = arith.constant 0 : i32
    %add3A_13 = arith.addi %mul3A_2, %add3A_12 : i32
    %dma_start3A = arith.constant 0 : i32
    %dma_start3A_14 = arith.constant 0 : i32
    %dma_start3A_15 = arith.constant 0 : i32
    %dma_start3A_16 = tpu.memref_slice %arg5[%dma_start3A, %dma_start3A_14, %dma_start3A_15] : memref<4x80x128xf32, #tpu.memory_space<vmem>> -> memref<1x80x128xf32, #tpu.memory_space<vmem>>
    %dma_start3A_17 = tpu.memref_squeeze %dma_start3A_16 : memref<1x80x128xf32, #tpu.memory_space<vmem>> -> memref<80x128xf32, #tpu.memory_space<vmem>>
    %dma_start3A_18 = arith.constant 0 : i32
    %dma_start3A_19 = tpu.memref_slice %arg2[%add3A_13, %dma_start3A_18] : memref<320000x128xf32, #tpu.memory_space<hbm>> -> memref<80x128xf32, #tpu.memory_space<hbm>>
    %dma_start3A_20 = arith.constant 0 : i32
    %dma_start3A_21 = arith.constant 0 : i32
    %dma_start3A_22 = tpu.memref_slice %arg5[%dma_start3A, %dma_start3A_20, %dma_start3A_21] : memref<4x80x128xf32, #tpu.memory_space<vmem>> -> memref<1x80x128xf32, #tpu.memory_space<vmem>>
    %dma_start3A_23 = tpu.memref_squeeze %dma_start3A_22 : memref<1x80x128xf32, #tpu.memory_space<vmem>> -> memref<80x128xf32, #tpu.memory_space<vmem>>
    %dma_start3A_24 = arith.constant 0 : i32
    %dma_start3A_25 = tpu.memref_slice %arg2[%add3A_13, %dma_start3A_24] : memref<320000x128xf32, #tpu.memory_space<hbm>> -> memref<80x128xf32, #tpu.memory_space<hbm>>
    tpu.enqueue_dma source(%dma_start3A_25 : memref<80x128xf32, #tpu.memory_space<hbm>>) target(%dma_start3A_23 : memref<80x128xf32, #tpu.memory_space<vmem>>) target_semaphore(%arg9 : memref<!tpu.dma_semaphore, #tpu.memory_space<semaphore_mem>>)
    %add3A_26 = arith.constant 80 : i32
    %add3A_27 = arith.addi %mul3A_2, %add3A_26 : i32
    %dma_start3A_28 = arith.constant 1 : i32
    %dma_start3A_29 = arith.constant 0 : i32
    %dma_start3A_30 = arith.constant 0 : i32
    %dma_start3A_31 = tpu.memref_slice %arg5[%dma_start3A_28, %dma_start3A_29, %dma_start3A_30] : memref<4x80x128xf32, #tpu.memory_space<vmem>> -> memref<1x80x128xf32, #tpu.memory_space<vmem>>
    %dma_start3A_32 = tpu.memref_squeeze %dma_start3A_31 : memref<1x80x128xf32, #tpu.memory_space<vmem>> -> memref<80x128xf32, #tpu.memory_space<vmem>>
    %dma_start3A_33 = arith.constant 0 : i32
    %dma_start3A_34 = tpu.memref_slice %arg2[%add3A_27, %dma_start3A_33] : memref<320000x128xf32, #tpu.memory_space<hbm>> -> memref<80x128xf32, #tpu.memory_space<hbm>>
    %dma_start3A_35 = arith.constant 0 : i32
    %dma_start3A_36 = arith.constant 0 : i32
    %dma_start3A_37 = tpu.memref_slice %arg5[%dma_start3A_28, %dma_start3A_35, %dma_start3A_36] : memref<4x80x128xf32, #tpu.memory_space<vmem>> -> memref<1x80x128xf32, #tpu.memory_space<vmem>>
    %dma_start3A_38 = tpu.memref_squeeze %dma_start3A_37 : memref<1x80x128xf32, #tpu.memory_space<vmem>> -> memref<80x128xf32, #tpu.memory_space<vmem>>
    %dma_start3A_39 = arith.constant 0 : i32
    %dma_start3A_40 = tpu.memref_slice %arg2[%add3A_27, %dma_start3A_39] : memref<320000x128xf32, #tpu.memory_space<hbm>> -> memref<80x128xf32, #tpu.memory_space<hbm>>
    tpu.enqueue_dma source(%dma_start3A_40 : memref<80x128xf32, #tpu.memory_space<hbm>>) target(%dma_start3A_38 : memref<80x128xf32, #tpu.memory_space<vmem>>) target_semaphore(%arg10 : memref<!tpu.dma_semaphore, #tpu.memory_space<semaphore_mem>>)
    %scan3A_41 = arith.constant 0 : i32
    %scan3A_42 = arith.constant 0 : i32
    %scan3A_43 = arith.constant 31 : i32
    %scan3A_44 = arith.addi %scan3A_42, %scan3A_43 : i32
    %scan3A_45 = arith.constant 1 : i32
    %scan3A_46 = scf.for %scan3A_66 = %scan3A_42 to %scan3A_44 step %scan3A_45 iter_args(%scan3A_67 = %scan3A_41) -> (i32)  : i32 {
      %mul3A_68 = arith.constant 4 : i32
      %mul3A_69 = arith.muli %scan3A_66, %mul3A_68 : i32
      %add3A_70 = arith.constant 0 : i32
      %add3A_71 = arith.addi %mul3A_69, %add3A_70 : i32
      %mul3A_72 = arith.constant 80 : i32
      %mul3A_73 = arith.muli %add3A_71, %mul3A_72 : i32
      %add3A_74 = arith.addi %mul3A_2, %mul3A_73 : i32
      %dma_wait3A_75 = arith.constant 0 : i32
      %dma_wait3A_76 = arith.constant 0 : i32
      %dma_wait3A_77 = arith.constant 0 : i32
      %dma_wait3A_78 = tpu.memref_slice %arg5[%dma_wait3A_75, %dma_wait3A_76, %dma_wait3A_77] : memref<4x80x128xf32, #tpu.memory_space<vmem>> -> memref<1x80x128xf32, #tpu.memory_space<vmem>>
      %dma_wait3A_79 = tpu.memref_squeeze %dma_wait3A_78 : memref<1x80x128xf32, #tpu.memory_space<vmem>> -> memref<80x128xf32, #tpu.memory_space<vmem>>
      %dma_wait3A_80 = arith.constant 0 : i32
      %dma_wait3A_81 = tpu.memref_slice %arg2[%add3A_74, %dma_wait3A_80] : memref<320000x128xf32, #tpu.memory_space<hbm>> -> memref<80x128xf32, #tpu.memory_space<hbm>>
      %dma_wait3A_82 = arith.constant 0 : i32
      %dma_wait3A_83 = arith.constant 0 : i32
      %dma_wait3A_84 = tpu.memref_slice %arg5[%dma_wait3A_75, %dma_wait3A_82, %dma_wait3A_83] : memref<4x80x128xf32, #tpu.memory_space<vmem>> -> memref<1x80x128xf32, #tpu.memory_space<vmem>>
      %dma_wait3A_85 = tpu.memref_squeeze %dma_wait3A_84 : memref<1x80x128xf32, #tpu.memory_space<vmem>> -> memref<80x128xf32, #tpu.memory_space<vmem>>
      %dma_wait3A_86 = arith.constant 0 : i32
      %dma_wait3A_87 = tpu.memref_slice %arg2[%add3A_74, %dma_wait3A_86] : memref<320000x128xf32, #tpu.memory_space<hbm>> -> memref<80x128xf32, #tpu.memory_space<hbm>>
      tpu.wait_dma2 semaphore(%arg9 : memref<!tpu.dma_semaphore, #tpu.memory_space<semaphore_mem>>) src(%dma_wait3A_87 : memref<80x128xf32, #tpu.memory_space<hbm>>) dst(%dma_wait3A_85 : memref<80x128xf32, #tpu.memory_space<vmem>>)
      %ge3A = arith.constant 2 : i32
      %ge3A_88 = arith.cmpi sge, %add3A_71, %ge3A : i32
      %convert_element_type3A_89 = arith.extui %ge3A_88 : i1 to i32
      %cond3A_90 = arith.constant 0 : i32
      %cond3A_91 = arith.cmpi ne, %convert_element_type3A_89, %cond3A_90 : i32
      scf.if %cond3A_91 {
      } else {
      }
      %add3A_92 = arith.constant 2 : i32
      %add3A_93 = arith.addi %add3A_71, %add3A_92 : i32
      %lt3A = arith.constant 125 : i32
      %lt3A_94 = arith.cmpi slt, %add3A_93, %lt3A : i32
      %convert_element_type3A_95 = arith.extui %lt3A_94 : i1 to i32
      %cond3A_96 = arith.constant 0 : i32
      %cond3A_97 = arith.cmpi ne, %convert_element_type3A_95, %cond3A_96 : i32
      scf.if %cond3A_97 {
        %add3A_195 = arith.constant 2 : i32
        %add3A_196 = arith.addi %add3A_71, %add3A_195 : i32
        %mul3A_197 = arith.constant 80 : i32
        %mul3A_198 = arith.muli %add3A_196, %mul3A_197 : i32
        %add3A_199 = arith.addi %mul3A_2, %mul3A_198 : i32
        %dma_start3A_200 = arith.constant 2 : i32
        %dma_start3A_201 = arith.constant 0 : i32
        %dma_start3A_202 = arith.constant 0 : i32
        %dma_start3A_203 = tpu.memref_slice %arg5[%dma_start3A_200, %dma_start3A_201, %dma_start3A_202] : memref<4x80x128xf32, #tpu.memory_space<vmem>> -> memref<1x80x128xf32, #tpu.memory_space<vmem>>
        %dma_start3A_204 = tpu.memref_squeeze %dma_start3A_203 : memref<1x80x128xf32, #tpu.memory_space<vmem>> -> memref<80x128xf32, #tpu.memory_space<vmem>>
        %dma_start3A_205 = arith.constant 0 : i32
        %dma_start3A_206 = tpu.memref_slice %arg2[%add3A_199, %dma_start3A_205] : memref<320000x128xf32, #tpu.memory_space<hbm>> -> memref<80x128xf32, #tpu.memory_space<hbm>>
        %dma_start3A_207 = arith.constant 0 : i32
        %dma_start3A_208 = arith.constant 0 : i32
        %dma_start3A_209 = tpu.memref_slice %arg5[%dma_start3A_200, %dma_start3A_207, %dma_start3A_208] : memref<4x80x128xf32, #tpu.memory_space<vmem>> -> memref<1x80x128xf32, #tpu.memory_space<vmem>>
        %dma_start3A_210 = tpu.memref_squeeze %dma_start3A_209 : memref<1x80x128xf32, #tpu.memory_space<vmem>> -> memref<80x128xf32, #tpu.memory_space<vmem>>
        %dma_start3A_211 = arith.constant 0 : i32
        %dma_start3A_212 = tpu.memref_slice %arg2[%add3A_199, %dma_start3A_211] : memref<320000x128xf32, #tpu.memory_space<hbm>> -> memref<80x128xf32, #tpu.memory_space<hbm>>
        tpu.enqueue_dma source(%dma_start3A_212 : memref<80x128xf32, #tpu.memory_space<hbm>>) target(%dma_start3A_210 : memref<80x128xf32, #tpu.memory_space<vmem>>) target_semaphore(%arg11 : memref<!tpu.dma_semaphore, #tpu.memory_space<semaphore_mem>>)
      } else {
      }
      %mul3A_98 = arith.constant 4 : i32
      %mul3A_99 = arith.muli %scan3A_66, %mul3A_98 : i32
      %add3A_100 = arith.constant 1 : i32
      %add3A_101 = arith.addi %mul3A_99, %add3A_100 : i32
      %mul3A_102 = arith.constant 80 : i32
      %mul3A_103 = arith.muli %add3A_101, %mul3A_102 : i32
      %add3A_104 = arith.addi %mul3A_2, %mul3A_103 : i32
      %dma_wait3A_105 = arith.constant 1 : i32
      %dma_wait3A_106 = arith.constant 0 : i32
      %dma_wait3A_107 = arith.constant 0 : i32
      %dma_wait3A_108 = tpu.memref_slice %arg5[%dma_wait3A_105, %dma_wait3A_106, %dma_wait3A_107] : memref<4x80x128xf32, #tpu.memory_space<vmem>> -> memref<1x80x128xf32, #tpu.memory_space<vmem>>
      %dma_wait3A_109 = tpu.memref_squeeze %dma_wait3A_108 : memref<1x80x128xf32, #tpu.memory_space<vmem>> -> memref<80x128xf32, #tpu.memory_space<vmem>>
      %dma_wait3A_110 = arith.constant 0 : i32
      %dma_wait3A_111 = tpu.memref_slice %arg2[%add3A_104, %dma_wait3A_110] : memref<320000x128xf32, #tpu.memory_space<hbm>> -> memref<80x128xf32, #tpu.memory_space<hbm>>
      %dma_wait3A_112 = arith.constant 0 : i32
      %dma_wait3A_113 = arith.constant 0 : i32
      %dma_wait3A_114 = tpu.memref_slice %arg5[%dma_wait3A_105, %dma_wait3A_112, %dma_wait3A_113] : memref<4x80x128xf32, #tpu.memory_space<vmem>> -> memref<1x80x128xf32, #tpu.memory_space<vmem>>
      %dma_wait3A_115 = tpu.memref_squeeze %dma_wait3A_114 : memref<1x80x128xf32, #tpu.memory_space<vmem>> -> memref<80x128xf32, #tpu.memory_space<vmem>>
      %dma_wait3A_116 = arith.constant 0 : i32
      %dma_wait3A_117 = tpu.memref_slice %arg2[%add3A_104, %dma_wait3A_116] : memref<320000x128xf32, #tpu.memory_space<hbm>> -> memref<80x128xf32, #tpu.memory_space<hbm>>
      tpu.wait_dma2 semaphore(%arg10 : memref<!tpu.dma_semaphore, #tpu.memory_space<semaphore_mem>>) src(%dma_wait3A_117 : memref<80x128xf32, #tpu.memory_space<hbm>>) dst(%dma_wait3A_115 : memref<80x128xf32, #tpu.memory_space<vmem>>)
      %ge3A_118 = arith.constant 2 : i32
      %ge3A_119 = arith.cmpi sge, %add3A_101, %ge3A_118 : i32
      %convert_element_type3A_120 = arith.extui %ge3A_119 : i1 to i32
      %cond3A_121 = arith.constant 0 : i32
      %cond3A_122 = arith.cmpi ne, %convert_element_type3A_120, %cond3A_121 : i32
      scf.if %cond3A_122 {
      } else {
      }
      %add3A_123 = arith.constant 2 : i32
      %add3A_124 = arith.addi %add3A_101, %add3A_123 : i32
      %lt3A_125 = arith.constant 125 : i32
      %lt3A_126 = arith.cmpi slt, %add3A_124, %lt3A_125 : i32
      %convert_element_type3A_127 = arith.extui %lt3A_126 : i1 to i32
      %cond3A_128 = arith.constant 0 : i32
      %cond3A_129 = arith.cmpi ne, %convert_element_type3A_127, %cond3A_128 : i32
      scf.if %cond3A_129 {
        %add3A_195 = arith.constant 2 : i32
        %add3A_196 = arith.addi %add3A_101, %add3A_195 : i32
        %mul3A_197 = arith.constant 80 : i32
        %mul3A_198 = arith.muli %add3A_196, %mul3A_197 : i32
        %add3A_199 = arith.addi %mul3A_2, %mul3A_198 : i32
        %dma_start3A_200 = arith.constant 3 : i32
        %dma_start3A_201 = arith.constant 0 : i32
        %dma_start3A_202 = arith.constant 0 : i32
        %dma_start3A_203 = tpu.memref_slice %arg5[%dma_start3A_200, %dma_start3A_201, %dma_start3A_202] : memref<4x80x128xf32, #tpu.memory_space<vmem>> -> memref<1x80x128xf32, #tpu.memory_space<vmem>>
        %dma_start3A_204 = tpu.memref_squeeze %dma_start3A_203 : memref<1x80x128xf32, #tpu.memory_space<vmem>> -> memref<80x128xf32, #tpu.memory_space<vmem>>
        %dma_start3A_205 = arith.constant 0 : i32
        %dma_start3A_206 = tpu.memref_slice %arg2[%add3A_199, %dma_start3A_205] : memref<320000x128xf32, #tpu.memory_space<hbm>> -> memref<80x128xf32, #tpu.memory_space<hbm>>
        %dma_start3A_207 = arith.constant 0 : i32
        %dma_start3A_208 = arith.constant 0 : i32
        %dma_start3A_209 = tpu.memref_slice %arg5[%dma_start3A_200, %dma_start3A_207, %dma_start3A_208] : memref<4x80x128xf32, #tpu.memory_space<vmem>> -> memref<1x80x128xf32, #tpu.memory_space<vmem>>
        %dma_start3A_210 = tpu.memref_squeeze %dma_start3A_209 : memref<1x80x128xf32, #tpu.memory_space<vmem>> -> memref<80x128xf32, #tpu.memory_space<vmem>>
        %dma_start3A_211 = arith.constant 0 : i32
        %dma_start3A_212 = tpu.memref_slice %arg2[%add3A_199, %dma_start3A_211] : memref<320000x128xf32, #tpu.memory_space<hbm>> -> memref<80x128xf32, #tpu.memory_space<hbm>>
        tpu.enqueue_dma source(%dma_start3A_212 : memref<80x128xf32, #tpu.memory_space<hbm>>) target(%dma_start3A_210 : memref<80x128xf32, #tpu.memory_space<vmem>>) target_semaphore(%arg12 : memref<!tpu.dma_semaphore, #tpu.memory_space<semaphore_mem>>)
      } else {
      }
      %mul3A_130 = arith.constant 4 : i32
      %mul3A_131 = arith.muli %scan3A_66, %mul3A_130 : i32
      %add3A_132 = arith.constant 2 : i32
      %add3A_133 = arith.addi %mul3A_131, %add3A_132 : i32
      %mul3A_134 = arith.constant 80 : i32
      %mul3A_135 = arith.muli %add3A_133, %mul3A_134 : i32
      %add3A_136 = arith.addi %mul3A_2, %mul3A_135 : i32
      %dma_wait3A_137 = arith.constant 2 : i32
      %dma_wait3A_138 = arith.constant 0 : i32
      %dma_wait3A_139 = arith.constant 0 : i32
      %dma_wait3A_140 = tpu.memref_slice %arg5[%dma_wait3A_137, %dma_wait3A_138, %dma_wait3A_139] : memref<4x80x128xf32, #tpu.memory_space<vmem>> -> memref<1x80x128xf32, #tpu.memory_space<vmem>>
      %dma_wait3A_141 = tpu.memref_squeeze %dma_wait3A_140 : memref<1x80x128xf32, #tpu.memory_space<vmem>> -> memref<80x128xf32, #tpu.memory_space<vmem>>
      %dma_wait3A_142 = arith.constant 0 : i32
      %dma_wait3A_143 = tpu.memref_slice %arg2[%add3A_136, %dma_wait3A_142] : memref<320000x128xf32, #tpu.memory_space<hbm>> -> memref<80x128xf32, #tpu.memory_space<hbm>>
      %dma_wait3A_144 = arith.constant 0 : i32
      %dma_wait3A_145 = arith.constant 0 : i32
      %dma_wait3A_146 = tpu.memref_slice %arg5[%dma_wait3A_137, %dma_wait3A_144, %dma_wait3A_145] : memref<4x80x128xf32, #tpu.memory_space<vmem>> -> memref<1x80x128xf32, #tpu.memory_space<vmem>>
      %dma_wait3A_147 = tpu.memref_squeeze %dma_wait3A_146 : memref<1x80x128xf32, #tpu.memory_space<vmem>> -> memref<80x128xf32, #tpu.memory_space<vmem>>
      %dma_wait3A_148 = arith.constant 0 : i32
      %dma_wait3A_149 = tpu.memref_slice %arg2[%add3A_136, %dma_wait3A_148] : memref<320000x128xf32, #tpu.memory_space<hbm>> -> memref<80x128xf32, #tpu.memory_space<hbm>>
      tpu.wait_dma2 semaphore(%arg11 : memref<!tpu.dma_semaphore, #tpu.memory_space<semaphore_mem>>) src(%dma_wait3A_149 : memref<80x128xf32, #tpu.memory_space<hbm>>) dst(%dma_wait3A_147 : memref<80x128xf32, #tpu.memory_space<vmem>>)
      %ge3A_150 = arith.constant 2 : i32
      %ge3A_151 = arith.cmpi sge, %add3A_133, %ge3A_150 : i32
      %convert_element_type3A_152 = arith.extui %ge3A_151 : i1 to i32
      %cond3A_153 = arith.constant 0 : i32
      %cond3A_154 = arith.cmpi ne, %convert_element_type3A_152, %cond3A_153 : i32
      scf.if %cond3A_154 {
      } else {
      }
      %add3A_155 = arith.constant 2 : i32
      %add3A_156 = arith.addi %add3A_133, %add3A_155 : i32
      %lt3A_157 = arith.constant 125 : i32
      %lt3A_158 = arith.cmpi slt, %add3A_156, %lt3A_157 : i32
      %convert_element_type3A_159 = arith.extui %lt3A_158 : i1 to i32
      %cond3A_160 = arith.constant 0 : i32
      %cond3A_161 = arith.cmpi ne, %convert_element_type3A_159, %cond3A_160 : i32
      scf.if %cond3A_161 {
        %add3A_195 = arith.constant 2 : i32
        %add3A_196 = arith.addi %add3A_133, %add3A_195 : i32
        %mul3A_197 = arith.constant 80 : i32
        %mul3A_198 = arith.muli %add3A_196, %mul3A_197 : i32
        %add3A_199 = arith.addi %mul3A_2, %mul3A_198 : i32
        %dma_start3A_200 = arith.constant 0 : i32
        %dma_start3A_201 = arith.constant 0 : i32
        %dma_start3A_202 = arith.constant 0 : i32
        %dma_start3A_203 = tpu.memref_slice %arg5[%dma_start3A_200, %dma_start3A_201, %dma_start3A_202] : memref<4x80x128xf32, #tpu.memory_space<vmem>> -> memref<1x80x128xf32, #tpu.memory_space<vmem>>
        %dma_start3A_204 = tpu.memref_squeeze %dma_start3A_203 : memref<1x80x128xf32, #tpu.memory_space<vmem>> -> memref<80x128xf32, #tpu.memory_space<vmem>>
        %dma_start3A_205 = arith.constant 0 : i32
        %dma_start3A_206 = tpu.memref_slice %arg2[%add3A_199, %dma_start3A_205] : memref<320000x128xf32, #tpu.memory_space<hbm>> -> memref<80x128xf32, #tpu.memory_space<hbm>>
        %dma_start3A_207 = arith.constant 0 : i32
        %dma_start3A_208 = arith.constant 0 : i32
        %dma_start3A_209 = tpu.memref_slice %arg5[%dma_start3A_200, %dma_start3A_207, %dma_start3A_208] : memref<4x80x128xf32, #tpu.memory_space<vmem>> -> memref<1x80x128xf32, #tpu.memory_space<vmem>>
        %dma_start3A_210 = tpu.memref_squeeze %dma_start3A_209 : memref<1x80x128xf32, #tpu.memory_space<vmem>> -> memref<80x128xf32, #tpu.memory_space<vmem>>
        %dma_start3A_211 = arith.constant 0 : i32
        %dma_start3A_212 = tpu.memref_slice %arg2[%add3A_199, %dma_start3A_211] : memref<320000x128xf32, #tpu.memory_space<hbm>> -> memref<80x128xf32, #tpu.memory_space<hbm>>
        tpu.enqueue_dma source(%dma_start3A_212 : memref<80x128xf32, #tpu.memory_space<hbm>>) target(%dma_start3A_210 : memref<80x128xf32, #tpu.memory_space<vmem>>) target_semaphore(%arg9 : memref<!tpu.dma_semaphore, #tpu.memory_space<semaphore_mem>>)
      } else {
      }
      %mul3A_162 = arith.constant 4 : i32
      %mul3A_163 = arith.muli %scan3A_66, %mul3A_162 : i32
      %add3A_164 = arith.constant 3 : i32
      %add3A_165 = arith.addi %mul3A_163, %add3A_164 : i32
      %mul3A_166 = arith.constant 80 : i32
      %mul3A_167 = arith.muli %add3A_165, %mul3A_166 : i32
      %add3A_168 = arith.addi %mul3A_2, %mul3A_167 : i32
      %dma_wait3A_169 = arith.constant 3 : i32
      %dma_wait3A_170 = arith.constant 0 : i32
      %dma_wait3A_171 = arith.constant 0 : i32
      %dma_wait3A_172 = tpu.memref_slice %arg5[%dma_wait3A_169, %dma_wait3A_170, %dma_wait3A_171] : memref<4x80x128xf32, #tpu.memory_space<vmem>> -> memref<1x80x128xf32, #tpu.memory_space<vmem>>
      %dma_wait3A_173 = tpu.memref_squeeze %dma_wait3A_172 : memref<1x80x128xf32, #tpu.memory_space<vmem>> -> memref<80x128xf32, #tpu.memory_space<vmem>>
      %dma_wait3A_174 = arith.constant 0 : i32
      %dma_wait3A_175 = tpu.memref_slice %arg2[%add3A_168, %dma_wait3A_174] : memref<320000x128xf32, #tpu.memory_space<hbm>> -> memref<80x128xf32, #tpu.memory_space<hbm>>
      %dma_wait3A_176 = arith.constant 0 : i32
      %dma_wait3A_177 = arith.constant 0 : i32
      %dma_wait3A_178 = tpu.memref_slice %arg5[%dma_wait3A_169, %dma_wait3A_176, %dma_wait3A_177] : memref<4x80x128xf32, #tpu.memory_space<vmem>> -> memref<1x80x128xf32, #tpu.memory_space<vmem>>
      %dma_wait3A_179 = tpu.memref_squeeze %dma_wait3A_178 : memref<1x80x128xf32, #tpu.memory_space<vmem>> -> memref<80x128xf32, #tpu.memory_space<vmem>>
      %dma_wait3A_180 = arith.constant 0 : i32
      %dma_wait3A_181 = tpu.memref_slice %arg2[%add3A_168, %dma_wait3A_180] : memref<320000x128xf32, #tpu.memory_space<hbm>> -> memref<80x128xf32, #tpu.memory_space<hbm>>
      tpu.wait_dma2 semaphore(%arg12 : memref<!tpu.dma_semaphore, #tpu.memory_space<semaphore_mem>>) src(%dma_wait3A_181 : memref<80x128xf32, #tpu.memory_space<hbm>>) dst(%dma_wait3A_179 : memref<80x128xf32, #tpu.memory_space<vmem>>)
      %ge3A_182 = arith.constant 2 : i32
      %ge3A_183 = arith.cmpi sge, %add3A_165, %ge3A_182 : i32
      %convert_element_type3A_184 = arith.extui %ge3A_183 : i1 to i32
      %cond3A_185 = arith.constant 0 : i32
      %cond3A_186 = arith.cmpi ne, %convert_element_type3A_184, %cond3A_185 : i32
      scf.if %cond3A_186 {
      } else {
      }
      %add3A_187 = arith.constant 2 : i32
      %add3A_188 = arith.addi %add3A_165, %add3A_187 : i32
      %lt3A_189 = arith.constant 125 : i32
      %lt3A_190 = arith.cmpi slt, %add3A_188, %lt3A_189 : i32
      %convert_element_type3A_191 = arith.extui %lt3A_190 : i1 to i32
      %cond3A_192 = arith.constant 0 : i32
      %cond3A_193 = arith.cmpi ne, %convert_element_type3A_191, %cond3A_192 : i32
      scf.if %cond3A_193 {
        %add3A_195 = arith.constant 2 : i32
        %add3A_196 = arith.addi %add3A_165, %add3A_195 : i32
        %mul3A_197 = arith.constant 80 : i32
        %mul3A_198 = arith.muli %add3A_196, %mul3A_197 : i32
        %add3A_199 = arith.addi %mul3A_2, %mul3A_198 : i32
        %dma_start3A_200 = arith.constant 1 : i32
        %dma_start3A_201 = arith.constant 0 : i32
        %dma_start3A_202 = arith.constant 0 : i32
        %dma_start3A_203 = tpu.memref_slice %arg5[%dma_start3A_200, %dma_start3A_201, %dma_start3A_202] : memref<4x80x128xf32, #tpu.memory_space<vmem>> -> memref<1x80x128xf32, #tpu.memory_space<vmem>>
        %dma_start3A_204 = tpu.memref_squeeze %dma_start3A_203 : memref<1x80x128xf32, #tpu.memory_space<vmem>> -> memref<80x128xf32, #tpu.memory_space<vmem>>
        %dma_start3A_205 = arith.constant 0 : i32
        %dma_start3A_206 = tpu.memref_slice %arg2[%add3A_199, %dma_start3A_205] : memref<320000x128xf32, #tpu.memory_space<hbm>> -> memref<80x128xf32, #tpu.memory_space<hbm>>
        %dma_start3A_207 = arith.constant 0 : i32
        %dma_start3A_208 = arith.constant 0 : i32
        %dma_start3A_209 = tpu.memref_slice %arg5[%dma_start3A_200, %dma_start3A_207, %dma_start3A_208] : memref<4x80x128xf32, #tpu.memory_space<vmem>> -> memref<1x80x128xf32, #tpu.memory_space<vmem>>
        %dma_start3A_210 = tpu.memref_squeeze %dma_start3A_209 : memref<1x80x128xf32, #tpu.memory_space<vmem>> -> memref<80x128xf32, #tpu.memory_space<vmem>>
        %dma_start3A_211 = arith.constant 0 : i32
        %dma_start3A_212 = tpu.memref_slice %arg2[%add3A_199, %dma_start3A_211] : memref<320000x128xf32, #tpu.memory_space<hbm>> -> memref<80x128xf32, #tpu.memory_space<hbm>>
        tpu.enqueue_dma source(%dma_start3A_212 : memref<80x128xf32, #tpu.memory_space<hbm>>) target(%dma_start3A_210 : memref<80x128xf32, #tpu.memory_space<vmem>>) target_semaphore(%arg10 : memref<!tpu.dma_semaphore, #tpu.memory_space<semaphore_mem>>)
      } else {
      }
      %scan3A_194 = arith.constant 0 : i32
      scf.yield %scan3A_194 : i32
    }
    %scan3A_47 = arith.constant 31 : i32
    %add3A_48 = arith.constant 9920 : i32
    %add3A_49 = arith.addi %mul3A_2, %add3A_48 : i32
    %dma_wait3A = arith.constant 0 : i32
    %dma_wait3A_50 = arith.constant 0 : i32
    %dma_wait3A_51 = arith.constant 0 : i32
    %dma_wait3A_52 = tpu.memref_slice %arg5[%dma_wait3A, %dma_wait3A_50, %dma_wait3A_51] : memref<4x80x128xf32, #tpu.memory_space<vmem>> -> memref<1x80x128xf32, #tpu.memory_space<vmem>>
    %dma_wait3A_53 = tpu.memref_squeeze %dma_wait3A_52 : memref<1x80x128xf32, #tpu.memory_space<vmem>> -> memref<80x128xf32, #tpu.memory_space<vmem>>
    %dma_wait3A_54 = arith.constant 0 : i32
    %dma_wait3A_55 = tpu.memref_slice %arg2[%add3A_49, %dma_wait3A_54] : memref<320000x128xf32, #tpu.memory_space<hbm>> -> memref<80x128xf32, #tpu.memory_space<hbm>>
    %dma_wait3A_56 = arith.constant 0 : i32
    %dma_wait3A_57 = arith.constant 0 : i32
    %dma_wait3A_58 = tpu.memref_slice %arg5[%dma_wait3A, %dma_wait3A_56, %dma_wait3A_57] : memref<4x80x128xf32, #tpu.memory_space<vmem>> -> memref<1x80x128xf32, #tpu.memory_space<vmem>>
    %dma_wait3A_59 = tpu.memref_squeeze %dma_wait3A_58 : memref<1x80x128xf32, #tpu.memory_space<vmem>> -> memref<80x128xf32, #tpu.memory_space<vmem>>
    %dma_wait3A_60 = arith.constant 0 : i32
    %dma_wait3A_61 = tpu.memref_slice %arg2[%add3A_49, %dma_wait3A_60] : memref<320000x128xf32, #tpu.memory_space<hbm>> -> memref<80x128xf32, #tpu.memory_space<hbm>>
    tpu.wait_dma2 semaphore(%arg9 : memref<!tpu.dma_semaphore, #tpu.memory_space<semaphore_mem>>) src(%dma_wait3A_61 : memref<80x128xf32, #tpu.memory_space<hbm>>) dst(%dma_wait3A_59 : memref<80x128xf32, #tpu.memory_space<vmem>>)
    %barrier3A_62 = arith.constant 0 : index
    tpu.barrier barrier_id(%barrier3A_62)
    %mul3A_63 = arith.constant 64 : i32
    %mul3A_64 = arith.muli %arg1, %mul3A_63 : i32
    %run_scoped3A = arith.constant 0 : i32
    "tpu.region"() ({
      %run_scoped3A_66 = tpu.sem_alloc : memref<!tpu.dma_semaphore, #tpu.memory_space<semaphore_mem>>
      %dma_start3A_67 = arith.constant 0 : i32
      %dma_start3A_68 = arith.constant 0 : i32
      %dma_start3A_69 = tpu.memref_slice %arg5[%run_scoped3A, %dma_start3A_67, %dma_start3A_68] : memref<4x80x128xf32, #tpu.memory_space<vmem>> -> memref<1x64x128xf32, #tpu.memory_space<vmem>>
      %dma_start3A_70 = tpu.memref_squeeze %dma_start3A_69 : memref<1x64x128xf32, #tpu.memory_space<vmem>> -> memref<64x128xf32, #tpu.memory_space<vmem>>
      %dma_start3A_71 = arith.constant 0 : i32
      %dma_start3A_72 = tpu.memref_slice %arg8[%mul3A_64, %dma_start3A_71] : memref<1024x128xf32, #tpu.memory_space<vmem_shared>> -> memref<64x128xf32, #tpu.memory_space<vmem_shared>>
      %dma_start3A_73 = arith.constant 0 : i32
      %dma_start3A_74 = arith.constant 0 : i32
      %dma_start3A_75 = tpu.memref_slice %arg5[%run_scoped3A, %dma_start3A_73, %dma_start3A_74] : memref<4x80x128xf32, #tpu.memory_space<vmem>> -> memref<1x64x128xf32, #tpu.memory_space<vmem>>
      %dma_start3A_76 = tpu.memref_squeeze %dma_start3A_75 : memref<1x64x128xf32, #tpu.memory_space<vmem>> -> memref<64x128xf32, #tpu.memory_space<vmem>>
      %dma_start3A_77 = arith.constant 0 : i32
      %dma_start3A_78 = tpu.memref_slice %arg8[%mul3A_64, %dma_start3A_77] : memref<1024x128xf32, #tpu.memory_space<vmem_shared>> -> memref<64x128xf32, #tpu.memory_space<vmem_shared>>
      tpu.enqueue_dma source(%dma_start3A_78 : memref<64x128xf32, #tpu.memory_space<vmem_shared>>) target(%dma_start3A_76 : memref<64x128xf32, #tpu.memory_space<vmem>>) target_semaphore(%run_scoped3A_66 : memref<!tpu.dma_semaphore, #tpu.memory_space<semaphore_mem>>)
      %dma_wait3A_79 = arith.constant 0 : i32
      %dma_wait3A_80 = arith.constant 0 : i32
      %dma_wait3A_81 = tpu.memref_slice %arg5[%run_scoped3A, %dma_wait3A_79, %dma_wait3A_80] : memref<4x80x128xf32, #tpu.memory_space<vmem>> -> memref<1x64x128xf32, #tpu.memory_space<vmem>>
      %dma_wait3A_82 = tpu.memref_squeeze %dma_wait3A_81 : memref<1x64x128xf32, #tpu.memory_space<vmem>> -> memref<64x128xf32, #tpu.memory_space<vmem>>
      %dma_wait3A_83 = arith.constant 0 : i32
      %dma_wait3A_84 = tpu.memref_slice %arg8[%mul3A_64, %dma_wait3A_83] : memref<1024x128xf32, #tpu.memory_space<vmem_shared>> -> memref<64x128xf32, #tpu.memory_space<vmem_shared>>
      %dma_wait3A_85 = arith.constant 0 : i32
      %dma_wait3A_86 = arith.constant 0 : i32
      %dma_wait3A_87 = tpu.memref_slice %arg5[%run_scoped3A, %dma_wait3A_85, %dma_wait3A_86] : memref<4x80x128xf32, #tpu.memory_space<vmem>> -> memref<1x64x128xf32, #tpu.memory_space<vmem>>
      %dma_wait3A_88 = tpu.memref_squeeze %dma_wait3A_87 : memref<1x64x128xf32, #tpu.memory_space<vmem>> -> memref<64x128xf32, #tpu.memory_space<vmem>>
      %dma_wait3A_89 = arith.constant 0 : i32
      %dma_wait3A_90 = tpu.memref_slice %arg8[%mul3A_64, %dma_wait3A_89] : memref<1024x128xf32, #tpu.memory_space<vmem_shared>> -> memref<64x128xf32, #tpu.memory_space<vmem_shared>>
      tpu.wait_dma2 semaphore(%run_scoped3A_66 : memref<!tpu.dma_semaphore, #tpu.memory_space<semaphore_mem>>) src(%dma_wait3A_90 : memref<64x128xf32, #tpu.memory_space<vmem_shared>>) dst(%dma_wait3A_88 : memref<64x128xf32, #tpu.memory_space<vmem>>)
      tpu.yield
    }) : () -> ()
    %run_scoped3A_65 = arith.constant 0 : i32
    "tpu.region"() ({
      %run_scoped3A_66 = tpu.sem_alloc : memref<!tpu.dma_semaphore, #tpu.memory_space<semaphore_mem>>
      %dma_start3A_67 = arith.constant 0 : i32
      %dma_start3A_68 = arith.constant 0 : i32
      %dma_start3A_69 = tpu.memref_slice %arg5[%run_scoped3A_65, %dma_start3A_67, %dma_start3A_68] : memref<4x80x128xf32, #tpu.memory_space<vmem>> -> memref<1x64x128xf32, #tpu.memory_space<vmem>>
      %dma_start3A_70 = tpu.memref_squeeze %dma_start3A_69 : memref<1x64x128xf32, #tpu.memory_space<vmem>> -> memref<64x128xf32, #tpu.memory_space<vmem>>
      %dma_start3A_71 = arith.constant 0 : i32
      %dma_start3A_72 = tpu.memref_slice %arg4[%arg0, %mul3A_64, %dma_start3A_71] : memref<2x1024x128xf32, #tpu.memory_space<hbm>> -> memref<1x64x128xf32, #tpu.memory_space<hbm>>
      %dma_start3A_73 = tpu.memref_squeeze %dma_start3A_72 : memref<1x64x128xf32, #tpu.memory_space<hbm>> -> memref<64x128xf32, #tpu.memory_space<hbm>>
      %dma_start3A_74 = arith.constant 0 : i32
      %dma_start3A_75 = tpu.memref_slice %arg4[%arg0, %mul3A_64, %dma_start3A_74] : memref<2x1024x128xf32, #tpu.memory_space<hbm>> -> memref<1x64x128xf32, #tpu.memory_space<hbm>>
      %dma_start3A_76 = tpu.memref_squeeze %dma_start3A_75 : memref<1x64x128xf32, #tpu.memory_space<hbm>> -> memref<64x128xf32, #tpu.memory_space<hbm>>
      %dma_start3A_77 = arith.constant 0 : i32
      %dma_start3A_78 = arith.constant 0 : i32
      %dma_start3A_79 = tpu.memref_slice %arg5[%run_scoped3A_65, %dma_start3A_77, %dma_start3A_78] : memref<4x80x128xf32, #tpu.memory_space<vmem>> -> memref<1x64x128xf32, #tpu.memory_space<vmem>>
      %dma_start3A_80 = tpu.memref_squeeze %dma_start3A_79 : memref<1x64x128xf32, #tpu.memory_space<vmem>> -> memref<64x128xf32, #tpu.memory_space<vmem>>
      tpu.enqueue_dma source(%dma_start3A_80 : memref<64x128xf32, #tpu.memory_space<vmem>>) target(%dma_start3A_76 : memref<64x128xf32, #tpu.memory_space<hbm>>) target_semaphore(%run_scoped3A_66 : memref<!tpu.dma_semaphore, #tpu.memory_space<semaphore_mem>>)
      %dma_wait3A_81 = arith.constant 0 : i32
      %dma_wait3A_82 = arith.constant 0 : i32
      %dma_wait3A_83 = tpu.memref_slice %arg5[%run_scoped3A_65, %dma_wait3A_81, %dma_wait3A_82] : memref<4x80x128xf32, #tpu.memory_space<vmem>> -> memref<1x64x128xf32, #tpu.memory_space<vmem>>
      %dma_wait3A_84 = tpu.memref_squeeze %dma_wait3A_83 : memref<1x64x128xf32, #tpu.memory_space<vmem>> -> memref<64x128xf32, #tpu.memory_space<vmem>>
      %dma_wait3A_85 = arith.constant 0 : i32
      %dma_wait3A_86 = tpu.memref_slice %arg4[%arg0, %mul3A_64, %dma_wait3A_85] : memref<2x1024x128xf32, #tpu.memory_space<hbm>> -> memref<1x64x128xf32, #tpu.memory_space<hbm>>
      %dma_wait3A_87 = tpu.memref_squeeze %dma_wait3A_86 : memref<1x64x128xf32, #tpu.memory_space<hbm>> -> memref<64x128xf32, #tpu.memory_space<hbm>>
      %dma_wait3A_88 = arith.constant 0 : i32
      %dma_wait3A_89 = tpu.memref_slice %arg4[%arg0, %mul3A_64, %dma_wait3A_88] : memref<2x1024x128xf32, #tpu.memory_space<hbm>> -> memref<1x64x128xf32, #tpu.memory_space<hbm>>
      %dma_wait3A_90 = tpu.memref_squeeze %dma_wait3A_89 : memref<1x64x128xf32, #tpu.memory_space<hbm>> -> memref<64x128xf32, #tpu.memory_space<hbm>>
      %dma_wait3A_91 = arith.constant 0 : i32
      %dma_wait3A_92 = arith.constant 0 : i32
      %dma_wait3A_93 = tpu.memref_slice %arg5[%run_scoped3A_65, %dma_wait3A_91, %dma_wait3A_92] : memref<4x80x128xf32, #tpu.memory_space<vmem>> -> memref<1x64x128xf32, #tpu.memory_space<vmem>>
      %dma_wait3A_94 = tpu.memref_squeeze %dma_wait3A_93 : memref<1x64x128xf32, #tpu.memory_space<vmem>> -> memref<64x128xf32, #tpu.memory_space<vmem>>
      tpu.wait_dma2 semaphore(%run_scoped3A_66 : memref<!tpu.dma_semaphore, #tpu.memory_space<semaphore_mem>>) src(%dma_wait3A_94 : memref<64x128xf32, #tpu.memory_space<vmem>>) dst(%dma_wait3A_90 : memref<64x128xf32, #tpu.memory_space<hbm>>)
      tpu.yield
    }) : () -> ()
    return
  }
}

module attributes {stable_mosaic.version = 14 : i64} {
  func.func @_finish_kernel(%arg0: memref<2x1024x128xf32, #tpu.memory_space<vmem>>, %arg1: memref<1000x64xf32, #tpu.memory_space<vmem>>, %arg2: memref<64x64xf32, #tpu.memory_space<vmem>>, %arg3: memref<64x128xf32, #tpu.memory_space<vmem>>, %arg4: memref<64xf32, #tpu.memory_space<vmem>>, %arg5: memref<64xf32, #tpu.memory_space<vmem>>, %arg6: memref<1000x64xf32, #tpu.memory_space<vmem>>) attributes {dimension_semantics = [], scalar_prefetch = 0 : i64, scratch_operands = 0 : i64, tpu.core_type = #tpu.core_type<tc>} {
    %get3A = arith.constant 0 : index
    %get3A_0 = arith.constant 0 : index
    %get3A_1 = arith.constant 0 : index
    %get3A_2 = vector.load %arg0[%get3A, %get3A_0, %get3A_1] : memref<2x1024x128xf32, #tpu.memory_space<vmem>>, vector<1x1000x128xf32>
    %get3A_3 = vector.shape_cast %get3A_2 : vector<1x1000x128xf32> to vector<1000x128xf32>
    %get3A_4 = arith.constant 1 : index
    %get3A_5 = arith.constant 0 : index
    %get3A_6 = arith.constant 0 : index
    %get3A_7 = vector.load %arg0[%get3A_4, %get3A_5, %get3A_6] : memref<2x1024x128xf32, #tpu.memory_space<vmem>>, vector<1x1000x128xf32>
    %get3A_8 = vector.shape_cast %get3A_7 : vector<1x1000x128xf32> to vector<1000x128xf32>
    %add3A = arith.addf %get3A_3, %get3A_8 : vector<1000x128xf32>
    %mul3A = arith.mulf %add3A, %add3A : vector<1000x128xf32>
    %reduce_sum3A = arith.constant dense<0.000000e+00> : vector<1000xf32>
    %reduce_sum3A_9 = vector.multi_reduction <add>, %mul3A, %reduce_sum3A [1] : vector<1000x128xf32> to vector<1000xf32>
    %broadcast_in_dim3A = vector.shape_cast %reduce_sum3A_9 : vector<1000xf32> to vector<1000x1xf32>
    %sqrt3A = math.sqrt %broadcast_in_dim3A : vector<1000x1xf32>
    %max3A = arith.constant 9.99999996E-13 : f32
    %max3A_10 = vector.broadcast %max3A : f32 to vector<1000x1xf32>
    %max3A_11 = arith.maximumf %sqrt3A, %max3A_10 : vector<1000x1xf32>
    %div3A = vector.broadcast %max3A_11 : vector<1000x1xf32> to vector<1000x128xf32>
    %div3A_12 = arith.divf %add3A, %div3A : vector<1000x128xf32>
    %gt3A = arith.constant 0.000000e+00 : f32
    %gt3A_13 = vector.broadcast %gt3A : f32 to vector<1000x128xf32>
    %gt3A_14 = arith.cmpf ogt, %div3A_12, %gt3A_13 : vector<1000x128xf32>
    %exp3A = math.exp %div3A_12 : vector<1000x128xf32>
    %sub3A = arith.constant 1.000000e+00 : f32
    %sub3A_15 = vector.broadcast %sub3A : f32 to vector<1000x128xf32>
    %sub3A_16 = arith.subf %exp3A, %sub3A_15 : vector<1000x128xf32>
    %select_n3A = arith.select %gt3A_14, %div3A_12, %sub3A_16 : vector<1000x128xi1>, vector<1000x128xf32>
    %get3A_17 = arith.constant 0 : index
    %get3A_18 = arith.constant 0 : index
    %get3A_19 = vector.load %arg1[%get3A_17, %get3A_18] : memref<1000x64xf32, #tpu.memory_space<vmem>>, vector<1000x64xf32>
    %get3A_20 = arith.constant 0 : index
    %get3A_21 = arith.constant 0 : index
    %get3A_22 = vector.load %arg2[%get3A_20, %get3A_21] : memref<64x64xf32, #tpu.memory_space<vmem>>, vector<64x64xf32>
    %dot_general3A = arith.constant dense<0.000000e+00> : vector<1000x64xf32>
    %dot_general3A_23 = tpu.matmul %get3A_19, %get3A_22, %dot_general3A {dimension_numbers = #tpu.dot_dimension_numbers<[1], [1], [0], [0], [0, 0, 1, 0], [], []>, transpose_lhs_hint = false} : vector<1000x64xf32>, vector<64x64xf32>, vector<1000x64xf32> -> vector<1000x64xf32>
    %get3A_24 = arith.constant 0 : index
    %get3A_25 = arith.constant 0 : index
    %get3A_26 = vector.load %arg3[%get3A_24, %get3A_25] : memref<64x128xf32, #tpu.memory_space<vmem>>, vector<64x128xf32>
    %dot_general3A_27 = arith.constant dense<0.000000e+00> : vector<1000x64xf32>
    %dot_general3A_28 = tpu.matmul %select_n3A, %get3A_26, %dot_general3A_27 {dimension_numbers = #tpu.dot_dimension_numbers<[1], [1], [0], [0], [0, 0, 1, 0], [], []>, transpose_lhs_hint = false} : vector<1000x128xf32>, vector<64x128xf32>, vector<1000x64xf32> -> vector<1000x64xf32>
    %add3A_29 = arith.addf %dot_general3A_23, %dot_general3A_28 : vector<1000x64xf32>
    %get3A_30 = arith.constant 0 : index
    %get3A_31 = vector.load %arg4[%get3A_30] : memref<64xf32, #tpu.memory_space<vmem>>, vector<64xf32>
    %broadcast_in_dim3A_32 = vector.shape_cast %get3A_31 : vector<64xf32> to vector<1x64xf32>
    %add3A_33 = vector.broadcast %broadcast_in_dim3A_32 : vector<1x64xf32> to vector<1000x64xf32>
    %add3A_34 = arith.addf %add3A_29, %add3A_33 : vector<1000x64xf32>
    %get3A_35 = arith.constant 0 : index
    %get3A_36 = vector.load %arg5[%get3A_35] : memref<64xf32, #tpu.memory_space<vmem>>, vector<64xf32>
    %broadcast_in_dim3A_37 = vector.shape_cast %get3A_36 : vector<64xf32> to vector<1x64xf32>
    %add3A_38 = vector.broadcast %broadcast_in_dim3A_37 : vector<1x64xf32> to vector<1000x64xf32>
    %add3A_39 = arith.addf %add3A_34, %add3A_38 : vector<1000x64xf32>
    %swap3A = arith.constant 0 : index
    %swap3A_40 = arith.constant 0 : index
    %swap3A_41 = vector.load %arg6[%swap3A, %swap3A_40] : memref<1000x64xf32, #tpu.memory_space<vmem>>, vector<1000x64xf32>
    tpu.vector_store %arg6[%swap3A, %swap3A_40], %add3A_39 {strides = array<i32>} : memref<1000x64xf32, #tpu.memory_space<vmem>>, vector<1000x64xf32>,
    return
  }
}

</mosaic_0001>

<sc_bundles>
// kernel: kernel.4.cloned.1.call-start
scs
__scs_entry_jumppad:
0x0: {  	(pc) =	sbr.rel $0x88, $3  }
0x1: {  	(tag) =	ssettag $0x0;
	lr =	simm.s32 $0x1  }
0x2: {  	[smem:$0x3F9A] =	sst lr;
	_ =	strace $0xD0000000  }
0x3: {  	_ = 	snop  }
0x4: {  	_ = 	snop  }
0x5: {  	_ = 	snop  }
0x6: {  	_ = 	snop  }
0x7: {  	_ = 	snop  }
__scs_overlays_trampoline_lowered:
0x8: {  	[smem:$0x3FA9] =	sst s0  }
0x9: {  	[smem:$0x3FAA] =	sst s1  }
0xa: {  	[smem:$0x3FAB] =	sst s2  }
0xb: {  	[smem:$0x3FAC] =	sst s3  }
0xc: {  	[smem:$0x3FAD] =	sst s4  }
0xd: {  	[smem:$0x3FAE] =	sst s5  }
0xe: {  	[smem:$0x3FAF] =	sst s6  }
0xf: {  	[smem:$0x3FB0] =	sst s7  }
0x10: {  	[smem:$0x3FB1] =	sst s8  }
0x11: {  	[smem:$0x3FB2] =	sst s9;
	s0 =	simm.s32 @!p0 $0x0  }
0x12: {  	s1 =	sld [smem:$0x3F98];
	s0 =	simm.s32 @p0 $0x1  }
0x13: {  	[smem:$0x3FB3] =	sst s0;
	s0 =	simm.s32 @!p1 $0x0  }
0x14: {  	s2 =	sld [smem:$0x3F97];
	s0 =	simm.s32 @p1 $0x1  }
0x15: {  	[smem:$0x3FB4] =	sst s0;
	s0 =	simm.s32 @!p2 $0x0  }
0x16: {  	s3 =	sld [smem:$0x3FDB];
	s0 =	simm.s32 @p2 $0x1  }
0x17: {  	s4 =	simm.s32 $0x1BF5;
	[smem:$0x3FB6] =	sst s0  }
0x18: {  	s0 =	sld [smem:$0x3F99];
	_ =	swait.ge [sflag:s4], $0x0  }
0x19: {  	s7 =	sld [smem:$0x3F9A]  }
0x1a: {  	s8 =	sadd.s32 $0xFFFFE003, lr  }
0x1b: {  	s9 =	sadd.s32 $0xFFFFFEF7, lr;
	s5 =	simm.s32 $0xFFFFFFFF;
	p2 =	slt.u32 s8, $0xFFFFF086  }
0x1c: {  	p1 =	slt.u32 s9, $0xF7A;
	s5 =	simm.s32 @!p2 $0x0  }
0x1d: {  	s5 =	simm.s32 @p1 $0x1;
	p0 =	seq.s32 s7, s2  }
0x1e: {  	s7 =	smul.u32 @!p0 $0xF7A, s2;
	p2 =	seq.s32 @!p0 s5, $0x0  }
0x1f: {  	s9 =	smul.u32 $0xF7A, s1;
	s8 =	simm.s32 @!p0 $0x1BF5;
	p2 =	por !p2, p0  }
0x20: {  	[sflag:s8] =	ssyncset.s32 @!p0 $0xFFFFF086;
	s6 =	sadd.s32 @!p0 s3, s7;
	s7 =	simm.s32 @!p0 $0x108  }
0x21: {  	s3 =	sadd.s32 s3, s9;
	s6 =	sadd.s32 @!p0 $0x88, s6;
	s7 =	simm.s32 @p2 $0x1082  }
0x22: {  	[simem:s7], [sflag:s8] =	dma.local @!p0 [hbm:s6], $0xF7A  }
0x23: {  	s9 =	sor.u32 $0xD0000000, s2;
	s6 =	simm.s32 $0x108;
	_ =	swait.ge @!p0 [sflag:s8], $0x0  }
0x24: {  	s3 =	sadd.s32 $0x88, s3;
	s6 =	simm.s32 @!p1 $0x1082;
	[sflag:s4] =	ssyncset.s32 $0xFFFFF086  }
0x25: {  	[simem:s6], [sflag:s4] =	dma.local [hbm:s3], $0xF7A  }
0x26: {  	[smem:$0x3F9A] =	sst s1;
	(tag) =	ssettag s2;
	_ =	strace s9  }
0x27: {  	s1 =	sld [smem:$0x3FAA]  }
0x28: {  	s2 =	sld [smem:$0x3FAB]  }
0x29: {  	s4 =	sld [smem:$0x3FAD]  }
0x2a: {  	p0 =	seq.s32 s5, $0x0;
	s5 =	sld [smem:$0x3FAE]  }
0x2b: {  	s6 =	sld [smem:$0x3FAF]  }
0x2c: {  	s7 =	sld [smem:$0x3FB0]  }
0x2d: {  	s3 =	simm.s32 $0x108;
	s8 =	sld [smem:$0x3FB1]  }
0x2e: {  	s3 =	simm.s32 @!p0 $0x1082;
	s9 =	sld [smem:$0x3FB2]  }
0x2f: {  	lr =	sadd.s32 s0, s3;
	s0 =	sld [smem:$0x3FA9]  }
0x30: {  	s3 =	sld [smem:$0x3FAC]  }
0x31: {  	[smem:$0x3FB5] =	sst s10  }
0x32: {  	s10 =	sld [smem:$0x3FB3];
	_ =	sdelay $0x3  }
0x33: {  	p0 =	seq.s32 s10, $0x1;
	s10 =	sld [smem:$0x3FB5];
	_ =	sdelay $0x3  }
0x34: {  	[smem:$0x3FB5] =	sst s10  }
0x35: {  	s10 =	sld [smem:$0x3FB4];
	_ =	sdelay $0x3  }
0x36: {  	p1 =	seq.s32 s10, $0x1;
	s10 =	sld [smem:$0x3FB5];
	_ =	sdelay $0x3  }
0x37: {  	[smem:$0x3FB5] =	sst s10  }
0x38: {  	s10 =	sld [smem:$0x3FB6]  }
0x39: {  	_ = 	snop;
	(pc) =	sbr.ind lr, $3  }
0x3a: {  	_ = 	snop  }
0x3b: {  	_ = 	snop  }
0x3c: {  	p2 =	seq.s32 s10, $0x1;
	s10 =	sld [smem:$0x3FB5]  }
0x3d: {  	_ =	shalt  }
0x3e: {  	_ =	shalt  }
0x3f: {  	_ =	shalt  }
0x40: {  	_ =	shalt  }
0x41: {  	_ =	shalt  }
0x42: {  	_ =	shalt  }
0x43: {  	_ =	shalt  }
0x44: {  	_ =	shalt  }
0x45: {  	_ =	shalt  }
0x46: {  	_ =	shalt  }
0x47: {  	_ =	shalt  }
0x48: {  	_ =	shalt  }
0x49: {  	_ =	shalt  }
0x4a: {  	_ =	shalt  }
0x4b: {  	_ =	shalt  }
0x4c: {  	_ =	shalt  }
0x4d: {  	_ =	shalt  }
0x4e: {  	_ =	shalt  }
0x4f: {  	_ =	shalt  }
0x50: {  	_ =	shalt  }
0x51: {  	_ =	shalt  }
0x52: {  	_ =	shalt  }
0x53: {  	_ =	shalt  }
0x54: {  	_ =	shalt  }
0x55: {  	_ =	shalt  }
0x56: {  	_ =	shalt  }
0x57: {  	_ =	shalt  }
0x58: {  	_ =	shalt  }
0x59: {  	_ =	shalt  }
0x5a: {  	_ =	shalt  }
0x5b: {  	_ =	shalt  }
0x5c: {  	_ =	shalt  }
0x5d: {  	_ =	shalt  }
0x5e: {  	_ =	shalt  }
0x5f: {  	_ =	shalt  }
0x60: {  	_ =	shalt  }
0x61: {  	_ =	shalt  }
0x62: {  	_ =	shalt  }
0x63: {  	_ =	shalt  }
0x64: {  	_ =	shalt  }
0x65: {  	_ =	shalt  }
0x66: {  	_ =	shalt  }
0x67: {  	_ =	shalt  }
0x68: {  	_ =	shalt  }
0x69: {  	_ =	shalt  }
0x6a: {  	_ =	shalt  }
0x6b: {  	_ =	shalt  }
0x6c: {  	_ =	shalt  }
0x6d: {  	_ =	shalt  }
0x6e: {  	_ =	shalt  }
0x6f: {  	_ =	shalt  }
0x70: {  	_ =	shalt  }
0x71: {  	_ =	shalt  }
0x72: {  	_ =	shalt  }
0x73: {  	_ =	shalt  }
0x74: {  	_ =	shalt  }
0x75: {  	_ =	shalt  }
0x76: {  	_ =	shalt  }
0x77: {  	_ =	shalt  }
0x78: {  	_ =	shalt  }
0x79: {  	_ =	shalt  }
0x7a: {  	_ =	shalt  }
0x7b: {  	_ =	shalt  }
0x7c: {  	_ =	shalt  }
0x7d: {  	_ =	shalt  }
0x7e: {  	_ =	shalt  }
0x7f: {  	_ =	shalt  }
0x80: {  	_ =	shalt  }
0x81: {  	_ =	shalt  }
0x82: {  	_ =	shalt  }
0x83: {  	_ =	shalt  }
0x84: {  	_ =	shalt  }
0x85: {  	_ =	shalt  }
0x86: {  	_ =	shalt  }
0x87: {  	_ =	shalt  }
.Lfunc_end0:
.L_simem_size_0:
called_computation_lowered:
.L_overlay_start_0:
0x88: {  	s2 =	sld [smem:$0x3FD9]  }
0x89: {  	s3 =	sld [smem:$0x3FFE];
	_ =	sdelay $0x1  }
0x8a: {  	s1 =	srdreg.scid  }
0x8b: {  	s0 =	sand.u32 $0x1, s1  }
0x8c: {  	s17 =	sshll.u32 s0, $0xA;
	s2 =	sadd.s32 s3, s2  }
0x8d: {  	s2 =	sadd.s32 s2, s17  }
0x8e: {  	[smem:$0x3FC1] =	sst s2  }
0x8f: {  	_ = 	snop  }
0x90: {  	s2 =	sld [smem:$0x3FC9]  }
0x91: {  	s18 =	sld [smem:$0x3FC7];
	(tm) =	ssettm $0x1  }
0x92: {  	s4 =	sld [smem:$0x3FFB];
	_ =	sdelay $0x3  }
0x93: {  	_ =	strace s4  }
0x94: {  	s4 =	sld [smem:$0x3FFC];
	_ =	sdelay $0x3  }
0x95: {  	_ =	strace s4  }
0x96: {  	s4 =	sld [smem:$0x3FFD];
	_ =	sdelay $0x3  }
0x97: {  	_ =	strace s4  }
0x98: {  	_ =	strace $0x8FFFFFFF  }
0x99: {  	s19 =	sld [smem:$0x3FDB];
	_ =	sdelay $0x1  }
0x9a: {  	s5 =	simm.s32 $_scs_section_size  }
0x9b: {  	s6 =	simm.s32 $_size__tile_overlayer_lowered;
	s7 =	simm.s32 $_tile_overlayer_lowered  }
0x9c: {  	s22 =	simm.s32 $0x1BFF;
	s21 =	sshll.u32 s7, $0x1;
	s4 =	sadd.s32 s5, s19  }
0x9d: {  	s8 =	simm.s32 $0x0;
	s20 =	sshll.u32 s6, $0x1;
	s6 =	sadd.s32 s21, s4  }
0x9e: {  	[timem:s8], [sflag:s22] =	dma.local [hbm:s6], s20  }
0x9f: {  	_ =	swait.ge [sflag:s22], s20  }
0xa0: {  	s5 =	ssub.s32 $0x0, s20;
	[sflag:s22] =	ssyncset.done $0x0  }
0xa1: {  	[sflag:s22] =	ssyncadd.s32 s5;
	_ =	sdelay $0x1  }
0xa2: {  	s23 =	simm.s32 $0x1B8B  }
0xa3: {  	_ =	swait.ge [sflag:s23], $0x1  }
0xa4: {  	[sflag:s23] =	ssyncset.done $0x0  }
0xa5: {  	s25 =	simm.s32 $0x1B8E;
	s24 =	sld [smem:$0x3FFE];
	[sflag:s23] =	ssyncadd.s32 $0xFFFFFFFF  }
0xa6: {  	s26 =	simm.s32 $execute0_lowered;
	[smem:$0x3FD2] =	sst s25  }
0xa7: {  	s6 =	sshll.u32 s26, $0x1;
	_ =	strace $0x80000046;
	[dreg:$0x1] =	wrdreg $0xFFFFFFFF  }
0xa8: {  	s28 =	simm.s32 $_size_execute0_lowered;
	s4 =	sadd.s32 s4, s6;
	[dreg:$0x0] =	wrdreg $0x0  }
0xa9: {  	s6 =	sshll.u32 s28, $0x1;
	[dreg:$0x2] =	wrdreg s4  }
0xaa: {  	[dreg:$0x3] =	wrdreg s6  }
0xab: {  	[dreg:$0x4] =	wrdreg $0xC0  }
0xac: {  	_ =	task [dreg:s8], $0x5FFFF  }
0xad: {  	[dreg:$0x1] =	wrdreg $0xFFFFFFFF  }
0xae: {  	[dreg:$0x0] =	wrdreg $0x60  }
0xaf: {  	[dreg:$0x2] =	wrdreg s2  }
0xb0: {  	[dreg:$0x3] =	wrdreg s18  }
0xb1: {  	[dreg:$0x4] =	wrdreg s24  }
0xb2: {  	[dreg:$0x5] =	wrdreg $0xE7800  }
0xb3: {  	[dreg:$0x6] =	wrdreg $0x9  }
0xb4: {  	_ =	task.clear_ibuf [dreg:s8], $0x7FFFF;
	_ =	strace $0x90000046  }
0xb5: {  	s29 =	simm.s32 $0x9;
	_ =	strace $0x80000048  }
0xb6: {  	_ =	swait.ge [sflag:s29], $0x1  }
0xb7: {  	[sflag:s29] =	ssyncadd.s32 $0xFFFFFFFF  }
0xb8: {  	_ =	strace $0x90000048  }
0xb9: {  	_ =	sfence  }
0xba: {  	s30 =	sld [smem:$0x0];
	_ =	sdelay $0x2  }
0xbb: {  	s31 =	sshll.u32 s1, $0xD;
	s1 =	sshrl.u32 s1, $0x2  }
0xbc: {  	s3 =	sand.u32 $0x4000, s31;
	s1 =	sadd.s32 s1, s30  }
0xbd: {  	s0 =	sor.u32 s3, s0;
	s1 =	sshll.u32 s1, $0x11  }
0xbe: {  	s0 =	sor.u32 s1, s0  }
0xbf: {  	s0 =	sadd.s32 $0x8F2B, s0  }
0xc0: {  	[sflag:s0] =	ssyncadd.remote.s32 $0x1  }
0xc1: {  	_ =	sfence.sel $0xFFFF  }
0xc2: {  	[dreg:$0x0] =	wrdreg $0xFFFFFFFF;
	(pc) =	sbr.abs _section_cstart, $3  }
0xc3: {  	[dreg:$0x1] =	wrdreg $0xFFFFFFFF  }
0xc4: {  	_ =	task.clear_ibuf [dreg:s8], $0x2FFFF;
	_ =	strace $0x9FFFFFFF  }
0xc5: {  	(tm) =	ssettm $0x7FFFFFFF  }
tec
execute0_lowered:
.L_overlay_start_1:
0x0: {  	(tag) =	ssettag $0x1  }
0x1: {  	s0 =	rddreg [dreg:$0x0]  }
0x2: {  	s3 =	rddreg [dreg:$0x1]  }
0x3: {  	s4 =	rddreg [dreg:$0x2]  }
0x4: {  	s1 =	rddreg [dreg:$0x3]  }
0x5: {  	s2 =	simm.s32 $0x0;
	s5 =	srdreg.scid;
	s6 =	stileid.u32  }
0x6: {  	s29 =	simm.s32 $0xC780;
	[smem:$0x7FF] =	sst s2;
	s12 =	sadd.s32 $0x2000, s1  }
0x7: {  	s13 =	sadd.s32 $0x4000, s1;
	_ =	strace $0x80000047;
	[dreg:$0x5] =	wrdreg s12  }
0x8: {  	s30 =	simm.s32 $0x5;
	s14 =	sadd.s32 $0x6000, s1;
	[dreg:$0x6] =	wrdreg s13  }
0x9: {  	s31 =	simm.s32 $0xA000;
	s15 =	sadd.s32 $0x8000, s1;
	[dreg:$0x7] =	wrdreg s14  }
0xa: {  	s5 =	sand.u32 $0x1, s5;
	s16 =	sadd.s32 $0xA000, s1;
	[dreg:$0x8] =	wrdreg s15  }
0xb: {  	s9 =	sshll.u32 s6, $0xA;
	s17 =	sadd.s32 $0xC000, s1;
	[dreg:$0x9] =	wrdreg s16  }
0xc: {  	s18 =	sadd.s32 $0xE000, s1;
	s19 =	sadd.s32 $0x10000, s1;
	[dreg:$0xa] =	wrdreg s17  }
0xd: {  	s20 =	sadd.s32 $0x12000, s1;
	s21 =	sadd.s32 $0x14000, s1;
	[dreg:$0xb] =	wrdreg s18  }
0xe: {  	s25 =	smul.u32 $0x27100, s6;
	s26 =	sshll.u32 s6, $0xD;
	[dreg:$0xc] =	wrdreg s19  }
0xf: {  	p0 =	sne.s32 s6, $0x0;
	s7 =	ssub.s32 $0x2, s5;
	[dreg:$0xd] =	wrdreg s20  }
0x10: {  	s8 =	sshll.u32 s5, $0x4;
	s4 =	sadd.s32 s9, s4;
	[dreg:$0xe] =	wrdreg s21  }
0x11: {  	s13 =	sadd.s32 $0x16000, s1;
	s14 =	sadd.s32 $0x18000, s1;
	s15 =	sadd.s32 $0x1A000, s1  }
0x12: {  	s24 =	sshll.u32 s5, $0xE;
	s5 =	smul.u32 $0x271000, s5;
	s8 =	sor.u32 s6, s8  }
0x13: {  	s16 =	sadd.s32 $0x1C000, s1;
	s19 =	sadd.s32 $0x1E000, s1;
	s11 =	smul.u32 $0x2710, s8  }
0x14: {  	s10 =	sshrl.u32 s7, $0x1;
	s4 =	sadd.s32 s24, s4;
	s22 =	smul.u32 $0x27100, s8  }
0x15: {  	s6 =	simm.s32 $0x7800;
	s7 =	ssub.s32 s7, s10;
	s23 =	smul.u32 $0x138800, s8  }
0x16: {  	s8 =	simm.s32 $0x4;
	s24 =	smax.u32 s7, $0x1;
	s7 =	simm.s32 $0x3  }
0x17: {  	s9 =	sshrl.u32 s11, $0x3;
	s18 =	sadd.s32 s0, s22;
	s22 =	sadd.s32 s26, s1  }
0x18: {  	s17 =	sadd.s32 s3, s9;
	s3 =	sshrl.u32 s23, $0x3;
	s23 =	sadd.s32 $0x1000, s4  }
0x19: {  	s26 =	sadd.s32 $0x26700, s18;
	s28 =	sadd.s32 $0x26C00, s18;
	s4 =	simm.s32 $0x5000  }
0x1a: {  	s9 =	simm.s32 $0x0;
	s3 =	sadd.s32 s0, s3;
	s0 =	sadd.s32 s5, s0  }
0x1b: {  	s5 =	simm.s32 $0x2;
	s20 =	sadd.s32 $0x500, s3;
	s21 =	sadd.s32 s25, s0  }
0x1c: {  	v0 =	vimm.f32 $0.0e+00;
	s25 =	sadd.s32 $0x26200, s18;
	s0 =	simm.s32 $0x2800;
	s3 =	simm.s32 $0x1  }
.LBB2_1:
0x1d: {  	s10 =	simm.s32 $0x0;
	s11 =	simm.s32 $0x200  }
.LBB2_2:
0x1e: {  	p1 =	sne.s32 s11, $0x7E00;
	[tilespmem:s10+$0xC7F0] =	vst v0  }
0x1f: {  	[tilespmem:s10+$0xC780] =	vst v0  }
0x20: {  	[tilespmem:s10+$0xC790] =	vst v0  }
.Ltmp0:
0x21: {  	[tilespmem:s10+$0xC7A0] =	vst v0;
	(pc) =	sbr.rel @p1 .LBB2_2-.Ltmp0, $4  }
0x22: {  	[tilespmem:s10+$0xC7B0] =	vst v0  }
0x23: {  	[tilespmem:s10+$0xC7C0] =	vst v0  }
0x24: {  	[tilespmem:s10+$0xC7D0] =	vst v0  }
0x25: {  	[tilespmem:s10+$0xC7E0] =	vst v0;
	s10 =	sshra.s32 s11, $0x2;
	s11 =	sadd.s32 $0x200, s11  }
0x26: {  	[tilespmem:s10+$0xC7F0] =	vst v0  }
0x27: {  	[tilespmem:s10+$0xC780] =	vst v0  }
0x28: {  	[tilespmem:s10+$0xC790] =	vst v0  }
.Ltmp1:
0x29: {  	[tilespmem:s10+$0xC7A0] =	vst v0;
	(pc) =	sbr.rel @p0 .LBB2_5-.Ltmp1, $4  }
0x2a: {  	[tilespmem:s10+$0xC7B0] =	vst v0  }
0x2b: {  	[tilespmem:s10+$0xC7C0] =	vst v0  }
0x2c: {  	[tilespmem:s10+$0xC7D0] =	vst v0  }
0x2d: {  	[tilespmem:s10+$0xC7E0] =	vst v0  }
0x2e: {  	[spmem:s1] =	stream.linear.scatter [tilespmem:s29], [sflag:$0x5], $0x2000, $0x38;
	[tilespmem:$0x10780] =	vst v63  }
0x2f: {  	_ =	swait.ge [sflag:s30], $0x2000  }
0x30: {  	[sflag:s30] =	ssyncset.done $0x0  }
0x31: {  	s10 =	rddreg [dreg:$0x5];
	[sflag:s30] =	ssyncadd.s32 $0xFFFFE000  }
0x32: {  	[spmem:s10] =	stream.linear.scatter [tilespmem:s29], [sflag:$0x5], $0x2000, $0x38;
	[tilespmem:$0x10780] =	vst v63  }
0x33: {  	_ =	swait.ge [sflag:s30], $0x2000  }
0x34: {  	[sflag:s30] =	ssyncset.done $0x0  }
0x35: {  	s12 =	rddreg [dreg:$0x6];
	[sflag:s30] =	ssyncadd.s32 $0xFFFFE000  }
0x36: {  	[spmem:s12] =	stream.linear.scatter [tilespmem:s29], [sflag:$0x5], $0x2000, $0x38;
	[tilespmem:$0x10780] =	vst v63  }
0x37: {  	_ =	swait.ge [sflag:s30], $0x2000  }
0x38: {  	[sflag:s30] =	ssyncset.done $0x0  }
0x39: {  	s11 =	rddreg [dreg:$0x7];
	[sflag:s30] =	ssyncadd.s32 $0xFFFFE000  }
0x3a: {  	[spmem:s11] =	stream.linear.scatter [tilespmem:s29], [sflag:$0x5], $0x2000, $0x38;
	[tilespmem:$0x10780] =	vst v63  }
0x3b: {  	_ =	swait.ge [sflag:s30], $0x2000  }
0x3c: {  	[sflag:s30] =	ssyncset.done $0x0  }
0x3d: {  	s12 =	rddreg [dreg:$0x8];
	[sflag:s30] =	ssyncadd.s32 $0xFFFFE000  }
0x3e: {  	[spmem:s12] =	stream.linear.scatter [tilespmem:s29], [sflag:$0x5], $0x2000, $0x38;
	[tilespmem:$0x10780] =	vst v63  }
0x3f: {  	_ =	swait.ge [sflag:s30], $0x2000  }
0x40: {  	[sflag:s30] =	ssyncset.done $0x0  }
0x41: {  	s11 =	rddreg [dreg:$0x9];
	[sflag:s30] =	ssyncadd.s32 $0xFFFFE000  }
0x42: {  	[spmem:s11] =	stream.linear.scatter [tilespmem:s29], [sflag:$0x5], $0x2000, $0x38;
	[tilespmem:$0x10780] =	vst v63  }
0x43: {  	_ =	swait.ge [sflag:s30], $0x2000  }
0x44: {  	[sflag:s30] =	ssyncset.done $0x0  }
0x45: {  	s12 =	rddreg [dreg:$0xa];
	[sflag:s30] =	ssyncadd.s32 $0xFFFFE000  }
0x46: {  	[spmem:s12] =	stream.linear.scatter [tilespmem:s29], [sflag:$0x5], $0x2000, $0x38;
	[tilespmem:$0x10780] =	vst v63  }
0x47: {  	_ =	swait.ge [sflag:s30], $0x2000  }
0x48: {  	[sflag:s30] =	ssyncset.done $0x0  }
0x49: {  	s11 =	rddreg [dreg:$0xb];
	[sflag:s30] =	ssyncadd.s32 $0xFFFFE000  }
0x4a: {  	[spmem:s11] =	stream.linear.scatter [tilespmem:s29], [sflag:$0x5], $0x2000, $0x38;
	[tilespmem:$0x10780] =	vst v63  }
0x4b: {  	_ =	swait.ge [sflag:s30], $0x2000  }
0x4c: {  	[sflag:s30] =	ssyncset.done $0x0  }
0x4d: {  	s12 =	rddreg [dreg:$0xc];
	[sflag:s30] =	ssyncadd.s32 $0xFFFFE000  }
0x4e: {  	[spmem:s12] =	stream.linear.scatter [tilespmem:s29], [sflag:$0x5], $0x2000, $0x38;
	[tilespmem:$0x10780] =	vst v63  }
0x4f: {  	_ =	swait.ge [sflag:s30], $0x2000  }
0x50: {  	[sflag:s30] =	ssyncset.done $0x0  }
0x51: {  	s11 =	rddreg [dreg:$0xd];
	[sflag:s30] =	ssyncadd.s32 $0xFFFFE000  }
0x52: {  	[spmem:s11] =	stream.linear.scatter [tilespmem:s29], [sflag:$0x5], $0x2000, $0x38;
	[tilespmem:$0x10780] =	vst v63  }
0x53: {  	_ =	swait.ge [sflag:s30], $0x2000  }
0x54: {  	[sflag:s30] =	ssyncset.done $0x0  }
0x55: {  	s12 =	rddreg [dreg:$0xe];
	[sflag:s30] =	ssyncadd.s32 $0xFFFFE000  }
0x56: {  	[spmem:s12] =	stream.linear.scatter [tilespmem:s29], [sflag:$0x5], $0x2000, $0x38;
	[tilespmem:$0x10780] =	vst v63  }
0x57: {  	_ =	swait.ge [sflag:s30], $0x2000  }
0x58: {  	[sflag:s30] =	ssyncset.done $0x0  }
0x59: {  	[sflag:s30] =	ssyncadd.s32 $0xFFFFE000  }
0x5a: {  	[spmem:s13] =	stream.linear.scatter [tilespmem:s29], [sflag:$0x5], $0x2000, $0x38;
	[tilespmem:$0x10780] =	vst v63  }
0x5b: {  	_ =	swait.ge [sflag:s30], $0x2000  }
0x5c: {  	[sflag:s30] =	ssyncset.done $0x0  }
0x5d: {  	[sflag:s30] =	ssyncadd.s32 $0xFFFFE000  }
0x5e: {  	[spmem:s14] =	stream.linear.scatter [tilespmem:s29], [sflag:$0x5], $0x2000, $0x38;
	[tilespmem:$0x10780] =	vst v63  }
0x5f: {  	_ =	swait.ge [sflag:s30], $0x2000  }
0x60: {  	[sflag:s30] =	ssyncset.done $0x0  }
0x61: {  	[sflag:s30] =	ssyncadd.s32 $0xFFFFE000  }
0x62: {  	[spmem:s15] =	stream.linear.scatter [tilespmem:s29], [sflag:$0x5], $0x2000, $0x38;
	[tilespmem:$0x10780] =	vst v63  }
0x63: {  	_ =	swait.ge [sflag:s30], $0x2000  }
0x64: {  	[sflag:s30] =	ssyncset.done $0x0  }
0x65: {  	[sflag:s30] =	ssyncadd.s32 $0xFFFFE000  }
0x66: {  	[spmem:s16] =	stream.linear.scatter [tilespmem:s29], [sflag:$0x5], $0x2000, $0x38;
	[tilespmem:$0x10780] =	vst v63  }
0x67: {  	_ =	swait.ge [sflag:s30], $0x2000  }
0x68: {  	[sflag:s30] =	ssyncset.done $0x0  }
0x69: {  	[sflag:s30] =	ssyncadd.s32 $0xFFFFE000  }
0x6a: {  	[spmem:s19] =	stream.linear.scatter [tilespmem:s29], [sflag:$0x5], $0x2000, $0x38;
	[tilespmem:$0x10780] =	vst v63  }
0x6b: {  	_ =	swait.ge [sflag:s30], $0x2000  }
0x6c: {  	[sflag:s30] =	ssyncset.done $0x0  }
0x6d: {  	[sflag:s30] =	ssyncadd.s32 $0xFFFFE000  }
.LBB2_5:
0x6e: {  	s10 =	simm.s32 $0x0  }
0x6f: {  	[tilespmem:s31], [sflag:$0x5] =	stream.linear.gather [hbm4b:s17+s10], $0x2710, $0x38;
	[tilespmem:$0x10780] =	vst v63  }
0x70: {  	_ =	swait.ge [sflag:s30], $0x2710  }
0x71: {  	[sflag:s30] =	ssyncset.done $0x0  }
0x72: {  	[sflag:s30] =	ssyncadd.s32 $0xFFFFD8F0  }
0x73: {  	[bflag:$0x0] =	sbarrier.arrive $0xFFFF  }
0x74: {  	[tilespmem:s10], [sflag:$0x1] =	stream.linear.gather [hbm4b:s18+s10], $0x2800, $0x38;
	[tilespmem:$0x10780] =	vst v63  }
0x75: {  	_ = 	snop  }
0x76: {  	[tilespmem:s0], [sflag:$0x2] =	stream.linear.gather [hbm4b:s20+s10], $0x2800, $0x38;
	[tilespmem:$0x10780] =	vst v63  }
0x77: {  	_ =	swait.ge [sflag:s3], $0x2800  }
0x78: {  	s11 =	sadd.s32 $0x0, s21;
	[sflag:s3] =	ssyncset.done $0x0  }
0x79: {  	s12 =	sadd.s32 $0xA00, s11;
	[sflag:s3] =	ssyncadd.s32 $0xFFFFD800  }
0x7a: {  	[tilespmem:s4], [sflag:$0x3] =	stream.linear.gather [hbm4b:s12+s2], $0x2800, $0x38;
	[tilespmem:$0x10780] =	vst v63  }
0x7b: {  	_ =	swait.ge [sflag:s5], $0x2800  }
0x7c: {  	[sflag:s5] =	ssyncset.done $0x0  }
0x7d: {  	s12 =	sadd.s32 $0xF00, s11;
	[sflag:s5] =	ssyncadd.s32 $0xFFFFD800  }
0x7e: {  	[tilespmem:s6], [sflag:$0x4] =	stream.linear.gather [hbm4b:s12+s2], $0x2800, $0x38;
	[tilespmem:$0x10780] =	vst v63  }
0x7f: {  	_ =	swait.ge [sflag:s7], $0x2800  }
0x80: {  	[sflag:s7] =	ssyncset.done $0x0  }
0x81: {  	s12 =	sadd.s32 $0x1400, s11;
	[sflag:s7] =	ssyncadd.s32 $0xFFFFD800  }
0x82: {  	[tilespmem:s2], [sflag:$0x1] =	stream.linear.gather [hbm4b:s12+s2], $0x2800, $0x38;
	[tilespmem:$0x10780] =	vst v63  }
0x83: {  	_ =	swait.ge [sflag:s8], $0x2800  }
0x84: {  	[sflag:s8] =	ssyncset.done $0x0  }
0x85: {  	s10 =	simm.s32 $0x1400;
	s11 =	sadd.s32 $0x1900, s11;
	[sflag:s8] =	ssyncadd.s32 $0xFFFFD800  }
.LBB2_6:
0x86: {  	[tilespmem:s0], [sflag:$0x2] =	stream.linear.gather [hbm4b:s11+s2], $0x2800, $0x38;
	[tilespmem:$0x10780] =	vst v63  }
0x87: {  	s11 =	smov.u32 s10  }
0x88: {  	p1 =	sne.s32 s10, $0x24400;
	s10 =	sadd.s32 $0x1400, s10;
	_ =	swait.ge [sflag:s3], $0x2800  }
0x89: {  	s11 =	sadd.s32 s11, s21;
	[sflag:s3] =	ssyncset.done $0x0  }
0x8a: {  	s12 =	sadd.s32 $0xA00, s11;
	[sflag:s3] =	ssyncadd.s32 $0xFFFFD800  }
0x8b: {  	[tilespmem:s4], [sflag:$0x3] =	stream.linear.gather [hbm4b:s12+s2], $0x2800, $0x38;
	[tilespmem:$0x10780] =	vst v63  }
0x8c: {  	_ =	swait.ge [sflag:s5], $0x2800  }
0x8d: {  	[sflag:s5] =	ssyncset.done $0x0  }
0x8e: {  	s12 =	sadd.s32 $0xF00, s11;
	[sflag:s5] =	ssyncadd.s32 $0xFFFFD800  }
0x8f: {  	[tilespmem:s6], [sflag:$0x4] =	stream.linear.gather [hbm4b:s12+s2], $0x2800, $0x38;
	[tilespmem:$0x10780] =	vst v63  }
0x90: {  	_ =	swait.ge [sflag:s7], $0x2800  }
0x91: {  	[sflag:s7] =	ssyncset.done $0x0  }
.Ltmp2:
0x92: {  	s12 =	sadd.s32 $0x1400, s11;
	[sflag:s7] =	ssyncadd.s32 $0xFFFFD800;
	(pc) =	sbr.rel @p1 .LBB2_6-.Ltmp2, $4  }
0x93: {  	[tilespmem:s2], [sflag:$0x1] =	stream.linear.gather [hbm4b:s12+s2], $0x2800, $0x38;
	[tilespmem:$0x10780] =	vst v63  }
0x94: {  	_ =	swait.ge [sflag:s8], $0x2800  }
0x95: {  	[sflag:s8] =	ssyncset.done $0x0  }
0x96: {  	s11 =	sadd.s32 $0x1900, s11;
	[sflag:s8] =	ssyncadd.s32 $0xFFFFD800  }
0x97: {  	[tilespmem:s0], [sflag:$0x2] =	stream.linear.gather [hbm4b:s11+s2], $0x2800, $0x38;
	[tilespmem:$0x10780] =	vst v63  }
0x98: {  	_ =	swait.ge [sflag:s3], $0x2800  }
0x99: {  	[sflag:s3] =	ssyncset.done $0x0  }
0x9a: {  	[sflag:s3] =	ssyncadd.s32 $0xFFFFD800  }
0x9b: {  	[tilespmem:s4], [sflag:$0x3] =	stream.linear.gather [hbm4b:s25+s2], $0x2800, $0x38;
	[tilespmem:$0x10780] =	vst v63  }
0x9c: {  	_ =	swait.ge [sflag:s5], $0x2800  }
0x9d: {  	[sflag:s5] =	ssyncset.done $0x0  }
0x9e: {  	[sflag:s5] =	ssyncadd.s32 $0xFFFFD800  }
0x9f: {  	[tilespmem:s6], [sflag:$0x4] =	stream.linear.gather [hbm4b:s26+s2], $0x2800, $0x38;
	[tilespmem:$0x10780] =	vst v63  }
0xa0: {  	_ =	swait.ge [sflag:s7], $0x2800  }
0xa1: {  	[sflag:s7] =	ssyncset.done $0x0  }
0xa2: {  	[sflag:s7] =	ssyncadd.s32 $0xFFFFD800  }
0xa3: {  	[tilespmem:s2], [sflag:$0x1] =	stream.linear.gather [hbm4b:s28+s2], $0x2800, $0x38;
	[tilespmem:$0x10780] =	vst v63  }
0xa4: {  	_ =	swait.ge [sflag:s8], $0x2800  }
0xa5: {  	[sflag:s8] =	ssyncset.done $0x0  }
0xa6: {  	[sflag:s8] =	ssyncadd.s32 $0xFFFFD800  }
0xa7: {  	_ =	swait.ge [sflag:s3], $0x2800  }
0xa8: {  	[sflag:s3] =	ssyncset.done $0x0  }
0xa9: {  	[sflag:s3] =	ssyncadd.s32 $0xFFFFD800  }
0xaa: {  	[bflag:$0x0] =	sbarrier.arrive $0xFFFF  }
0xab: {  	[tilespmem:s2], [sflag:$0x5] =	stream.linear.gather [spmem:s22], $0x2000, $0x38;
	[tilespmem:$0x10780] =	vst v63  }
0xac: {  	s9 =	sadd.s32 $0x1, s9;
	_ =	swait.ge [sflag:s30], $0x2000  }
0xad: {  	p1 =	sne.s32 s9, s24;
	[sflag:s30] =	ssyncset.done $0x0  }
.Ltmp3:
0xae: {  	[sflag:s30] =	ssyncadd.s32 $0xFFFFE000;
	(pc) =	sbr.rel @p1 .LBB2_1-.Ltmp3, $4  }
0xaf: {  	[hbm4b:s23+s2] =	stream.linear.scatter [tilespmem:s2], [sflag:$0x5], $0x2000, $0x38;
	[tilespmem:$0x10780] =	vst v63  }
0xb0: {  	_ =	swait.ge [sflag:s30], $0x2000  }
0xb1: {  	[sflag:s30] =	ssyncset.done $0x0  }
0xb2: {  	[sflag:s30] =	ssyncadd.s32 $0xFFFFE000  }
0xb3: {  	_ =	sfence.sel $0x180000  }
0xb4: {  	[bflag:$0x0] =	sbarrier.arrive $0xFFFF  }
0xb5: {  	_ =	strace $0x90000047  }
0xb6: {  	[bflag:$0x2] =	sbarrier.arrive $0xFFFF  }
0xb7: {  	s0 =	rddreg [dreg:$0x4]  }
0xb8: {  	s0 =	sadd.s32 @!p0 $0x100000, s0  }
0xb9: {  	[sflag:s0] =	ssyncadd.tile.s32 @!p0 $0x1;
	_ =	shalt  }
.Lfunc_end2:
_tile_overlayer_lowered:
.L_overlay_start_2:
0xba: {  	(tag) =	ssettag $0x2  }
0xbb: {  	s0 =	rddreg [dreg:$0x0];
	s2 =	stileid.u32  }
0xbc: {  	s1 =	rddreg [dreg:$0x1];
	p0 =	sne.s32 s2, $0x0  }
0xbd: {  	s3 =	rddreg [dreg:$0x2];
	[bflag:$0x3] =	sbarrier.arrive $0xFFFF;
	s2 =	simm.s32 @!p0 $0x1C05  }
0xbe: {  	[timem:s3], [sflag:s2] =	dma.local @!p0 [hbm:s0], s1  }
0xbf: {  	s0 =	simm.s32 @!p0 $0x5  }
0xc0: {  	_ =	swait.ge @!p0 [sflag:s0], s1  }
0xc1: {  	s1 =	ssub.s32 @!p0 $0x0, s1;
	[sflag:s0] =	ssyncset.done @!p0 $0x0  }
0xc2: {  	[sflag:s0] =	ssyncadd.s32 @!p0 s1  }
0xc3: {  	[bflag:$0x3] =	sbarrier.arrive $0xFFFF  }
0xc4: {  	_ =	shalt  }

</sc_bundles>
